<compile_context>
chip_gen: v7x
topology: tpu7x:2x2x1
jax: 0.10.2.dev20260603
libtpu: 0.0.44.dev20260713+nightly
codegen_flags: <defaults>
</compile_context>

<pallas_src>
import jax
import jax.numpy as jnp
from jax import lax
from jax.experimental import pallas as pl
from jax.experimental.pallas import tpu as pltpu
from jax.experimental.pallas import tpu_sc as plsc

NC, NS, L = 2, 16, 16
NW = NC * NS
B, NSENT, V, D = 4, 128, 4096, 2048
TOTAL = B * NSENT
RPW = TOTAL // NW
NCHUNK = 2
CROWS = RPW // NCHUNK


def _pool_body(table_hbm, idx_hbm, mask_hbm, out_hbm, mask_v,
               idx_c, rows_c, isems, gsems, msem, ssem):
    wid = lax.axis_index("s") * NC + lax.axis_index("c")
    base = wid * RPW
    batch = base // NSENT
    idx_copies = [
        pltpu.async_copy(
            idx_hbm.at[pl.ds(base + c * CROWS, CROWS)], idx_c[c], isems[c]
        )
        for c in range(NCHUNK)
    ]
    mask_copy = pltpu.async_copy(mask_hbm.at[pl.ds(base, RPW)], mask_v, msem)

    gathers = []
    for c in range(NCHUNK):
        idx_copies[c].wait()
        gathers.append(
            pltpu.async_copy(
                table_hbm.at[batch].at[idx_c[c]], rows_c[c], gsems[c]
            )
        )

    mask_copy.wait()
    m = mask_v[...]
    allset = m[0]
    for i in range(1, RPW):
        allset = allset & m[i]

    scatters = []
    for c in range(NCHUNK):
        gathers[c].wait()

        @pl.when(allset == 0)
        def _mask_slow_path(c=c):
            for i in range(CROWS):
                bcf = m[c * CROWS + i].astype(jnp.float32)

                def body(j, carry):
                    off = pl.multiple_of(j * L, L)
                    rows_c[c][i, pl.ds(off, L)] = (
                        rows_c[c][i, pl.ds(off, L)] * bcf
                    )
                    return carry

                lax.fori_loop(0, D // L, body, 0)

        scatters.append(
            pltpu.async_copy(
                rows_c[c],
                out_hbm.at[batch].at[
                    pl.ds(base - batch * NSENT + c * CROWS, CROWS)
                ],
                ssem,
            )
        )
    for c in range(NCHUNK):
        scatters[c].wait()


_mesh = plsc.VectorSubcoreMesh(
    core_axis_name="c", subcore_axis_name="s", num_cores=NC, num_subcores=NS
)

_pool = pl.kernel(
    _pool_body,
    out_type=jax.ShapeDtypeStruct((B, NSENT, D), jnp.float32),
    mesh=_mesh,
    scratch_types=[
        pltpu.VMEM((RPW,), jnp.int32),
        [pltpu.VMEM((CROWS,), jnp.int32)] * NCHUNK,
        [pltpu.VMEM((CROWS, D), jnp.float32)] * NCHUNK,
        [pltpu.SemaphoreType.DMA] * NCHUNK,
        [pltpu.SemaphoreType.DMA] * NCHUNK,
        pltpu.SemaphoreType.DMA,
        pltpu.SemaphoreType.DMA,
    ],
)


def kernel(word_vectors, sent_rep_token_ids, sent_rep_mask):
    ids = sent_rep_token_ids.astype(jnp.int32).reshape(TOTAL)
    mask_i = sent_rep_mask.astype(jnp.int32).reshape(TOTAL)
    out = _pool(word_vectors, ids, mask_i)
    return out, sent_rep_mask

# --- scband reference (transcript-rebuilt; emitter-appended) ---
"""Pipeline reference for scband-pooling-60395830116403 (READ-ONLY COPY).

The authoritative reference and input builder live on the scoring server;
editing this copy changes nothing except your own understanding.
"""

import jax, jax.numpy as jnp
import numpy as np


def setup_inputs(seed: int = 0) -> dict:
    key = jax.random.key(seed)
    k1, k2 = jax.random.split(key)
    word_vectors = jax.random.normal(k1, (4, 4096, 2048), dtype=jnp.float32)
    sent_rep_token_ids = jax.random.randint(k2, (4, 128), 0, 4096, dtype=jnp.int64) if jax.config.jax_enable_x64 else jax.random.randint(k2, (4, 128), 0, 4096, dtype=jnp.int32)
    sent_rep_mask = jnp.ones((4, 128), dtype=bool)
    return {"word_vectors": word_vectors, "sent_rep_token_ids": sent_rep_token_ids, "sent_rep_mask": sent_rep_mask}


def reference(word_vectors, sent_rep_token_ids, sent_rep_mask):
    # sents_vec = word_vectors[arange(B)[:, None], sent_rep_token_ids]
    B = word_vectors.shape[0]
    batch_idx = jnp.arange(B)[:, None]
    sents_vec = word_vectors[batch_idx, sent_rep_token_ids]  # [B, n_sents, d]
    sents_vec = sents_vec * sent_rep_mask[:, :, None].astype(jnp.float32)
    output_vector = sents_vec  # torch.cat over a single-element list is identity
    output_mask = sent_rep_mask
    return (output_vector, output_mask)

if __name__ == "__main__":
    import jax
    _d = setup_inputs()
    print(jax.jit(kernel)(*tuple(_d.values())))

</pallas_src>

<mosaic_0001>
#map = affine_map<(d0, d1) -> (0, 0, 0)>
#map1 = affine_map<(d0, d1) -> (0)>
module attributes {stable_mosaic.version = 14 : i64} {
  func.func @_pool_body(%arg0: i32, %arg1: i32, %arg2: memref<4x4096x2048xf32, #tpu.memory_space<hbm>>, %arg3: memref<512xi32, #tpu.memory_space<hbm>>, %arg4: memref<512xi32, #tpu.memory_space<hbm>>, %arg5: memref<4x128x2048xf32, #tpu.memory_space<hbm>>, %arg6: memref<16xi32, #tpu.memory_space<vmem>>, %arg7: memref<8xi32, #tpu.memory_space<vmem>>, %arg8: memref<8xi32, #tpu.memory_space<vmem>>, %arg9: memref<8x2048xf32, #tpu.memory_space<vmem>>, %arg10: memref<8x2048xf32, #tpu.memory_space<vmem>>, %arg11: memref<!tpu.dma_semaphore, #tpu.memory_space<semaphore_mem>>, %arg12: memref<!tpu.dma_semaphore, #tpu.memory_space<semaphore_mem>>, %arg13: memref<!tpu.dma_semaphore, #tpu.memory_space<semaphore_mem>>, %arg14: memref<!tpu.dma_semaphore, #tpu.memory_space<semaphore_mem>>, %arg15: memref<!tpu.dma_semaphore, #tpu.memory_space<semaphore_mem>>, %arg16: memref<!tpu.dma_semaphore, #tpu.memory_space<semaphore_mem>>) attributes {dimension_semantics = [#tpu.dimension_semantics<core_parallel>, #tpu.dimension_semantics<subcore_parallel>], iteration_bounds = array<i64: 2, 16>, scalar_prefetch = 0 : i64, scratch_operands = 11 : i64, tpu.core_type = #tpu.core_type<sc_vector_subcore>, window_params = [{transform_indices = #map}, {transform_indices = #map1}, {transform_indices = #map1}, {transform_indices = #map}]} {
    %mul3A = arith.constant 2 : i32
    %mul3A_0 = arith.muli %arg1, %mul3A : i32
    %add3A = arith.addi %mul3A_0, %arg0 : i32
    %mul3A_1 = arith.constant 16 : i32
    %mul3A_2 = arith.muli %add3A, %mul3A_1 : i32
    %jit3A = arith.constant 128 : i32
    %div3A = arith.divsi %mul3A_2, %jit3A : i32
    %sign3A = arith.constant 0 : i32
    %sign3A_3 = arith.cmpi sgt, %mul3A_2, %sign3A : i32
    %sign3A_4 = arith.extui %sign3A_3 : i1 to i32
    %sign3A_5 = arith.constant 0 : i32
    %sign3A_6 = arith.cmpi slt, %mul3A_2, %sign3A_5 : i32
    %sign3A_7 = arith.extui %sign3A_6 : i1 to i32
    %sign3A_8 = arith.subi %sign3A_4, %sign3A_7 : i32
    %sign3A_9 = arith.constant 0 : i32
    %sign3A_10 = arith.cmpi sgt, %jit3A, %sign3A_9 : i32
    %sign3A_11 = arith.extui %sign3A_10 : i1 to i32
    %sign3A_12 = arith.constant 0 : i32
    %sign3A_13 = arith.cmpi slt, %jit3A, %sign3A_12 : i32
    %sign3A_14 = arith.extui %sign3A_13 : i1 to i32
    %sign3A_15 = arith.subi %sign3A_11, %sign3A_14 : i32
    %ne3A = arith.cmpi ne, %sign3A_8, %sign3A_15 : i32
    %rem3A = arith.remsi %mul3A_2, %jit3A : i32
    %ne3A_16 = arith.constant 0 : i32
    %ne3A_17 = arith.cmpi ne, %rem3A, %ne3A_16 : i32
    %and3A = arith.andi %ne3A, %ne3A_17 : i1
    %sub3A = arith.constant 1 : i32
    %sub3A_18 = arith.subi %div3A, %sub3A : i32
    %select_n3A = arith.select %and3A, %sub3A_18, %div3A : i32
    %add3A_19 = arith.constant 0 : i32
    %add3A_20 = arith.addi %mul3A_2, %add3A_19 : i32
    %dma_start3A = tpu.memref_slice %arg3[%add3A_20] : memref<512xi32, #tpu.memory_space<hbm>> -> memref<8xi32, #tpu.memory_space<hbm>>
    %dma_start3A_21 = tpu.memref_slice %arg3[%add3A_20] : memref<512xi32, #tpu.memory_space<hbm>> -> memref<8xi32, #tpu.memory_space<hbm>>
    tpu.enqueue_dma source(%dma_start3A_21 : memref<8xi32, #tpu.memory_space<hbm>>) target(%arg7 : memref<8xi32, #tpu.memory_space<vmem>>) target_semaphore(%arg11 : memref<!tpu.dma_semaphore, #tpu.memory_space<semaphore_mem>>)
    %add3A_22 = arith.constant 8 : i32
    %add3A_23 = arith.addi %mul3A_2, %add3A_22 : i32
    %dma_start3A_24 = tpu.memref_slice %arg3[%add3A_23] : memref<512xi32, #tpu.memory_space<hbm>> -> memref<8xi32, #tpu.memory_space<hbm>>
    %dma_start3A_25 = tpu.memref_slice %arg3[%add3A_23] : memref<512xi32, #tpu.memory_space<hbm>> -> memref<8xi32, #tpu.memory_space<hbm>>
    tpu.enqueue_dma source(%dma_start3A_25 : memref<8xi32, #tpu.memory_space<hbm>>) target(%arg8 : memref<8xi32, #tpu.memory_space<vmem>>) target_semaphore(%arg12 : memref<!tpu.dma_semaphore, #tpu.memory_space<semaphore_mem>>)
    %dma_start3A_26 = tpu.memref_slice %arg4[%mul3A_2] : memref<512xi32, #tpu.memory_space<hbm>> -> memref<16xi32, #tpu.memory_space<hbm>>
    %dma_start3A_27 = tpu.memref_slice %arg4[%mul3A_2] : memref<512xi32, #tpu.memory_space<hbm>> -> memref<16xi32, #tpu.memory_space<hbm>>
    tpu.enqueue_dma source(%dma_start3A_27 : memref<16xi32, #tpu.memory_space<hbm>>) target(%arg6 : memref<16xi32, #tpu.memory_space<vmem>>) target_semaphore(%arg15 : memref<!tpu.dma_semaphore, #tpu.memory_space<semaphore_mem>>)
    %dma_wait3A = tpu.memref_slice %arg3[%add3A_20] : memref<512xi32, #tpu.memory_space<hbm>> -> memref<8xi32, #tpu.memory_space<hbm>>
    %dma_wait3A_28 = tpu.memref_slice %arg3[%add3A_20] : memref<512xi32, #tpu.memory_space<hbm>> -> memref<8xi32, #tpu.memory_space<hbm>>
    tpu.wait_dma2 semaphore(%arg11 : memref<!tpu.dma_semaphore, #tpu.memory_space<semaphore_mem>>) src(%dma_wait3A_28 : memref<8xi32, #tpu.memory_space<hbm>>) dst(%arg7 : memref<8xi32, #tpu.memory_space<vmem>>)
    %dma_start3A_29 = arith.constant 0 : i32
    %dma_start3A_30 = arith.constant 0 : i32
    %dma_start3A_31 = tpu.memref_slice %arg2[%select_n3A, %dma_start3A_29, %dma_start3A_30] : memref<4x4096x2048xf32, #tpu.memory_space<hbm>> -> memref<1x4096x2048xf32, #tpu.memory_space<hbm>>
    %dma_start3A_32 = tpu.memref_squeeze %dma_start3A_31 : memref<1x4096x2048xf32, #tpu.memory_space<hbm>> -> memref<4096x2048xf32, #tpu.memory_space<hbm>>
    %dma_start3A_33 = arith.constant 0 : i32
    %dma_start3A_34 = arith.constant 0 : i32
    %dma_start3A_35 = tpu.memref_slice %dma_start3A_32[%dma_start3A_33, %dma_start3A_34] : memref<4096x2048xf32, #tpu.memory_space<hbm>> -> memref<4096x2048xf32, #tpu.memory_space<hbm>>
    tpu.enqueue_indirect_dma source(%dma_start3A_35 : memref<4096x2048xf32, #tpu.memory_space<hbm>>) target(%arg9 : memref<8x2048xf32, #tpu.memory_space<vmem>>) offsets(%arg7 : memref<8xi32, #tpu.memory_space<vmem>>) semaphore(%arg13 : memref<!tpu.dma_semaphore, #tpu.memory_space<semaphore_mem>>)
    %dma_wait3A_36 = tpu.memref_slice %arg3[%add3A_23] : memref<512xi32, #tpu.memory_space<hbm>> -> memref<8xi32, #tpu.memory_space<hbm>>
    %dma_wait3A_37 = tpu.memref_slice %arg3[%add3A_23] : memref<512xi32, #tpu.memory_space<hbm>> -> memref<8xi32, #tpu.memory_space<hbm>>
    tpu.wait_dma2 semaphore(%arg12 : memref<!tpu.dma_semaphore, #tpu.memory_space<semaphore_mem>>) src(%dma_wait3A_37 : memref<8xi32, #tpu.memory_space<hbm>>) dst(%arg8 : memref<8xi32, #tpu.memory_space<vmem>>)
    %dma_start3A_38 = arith.constant 0 : i32
    %dma_start3A_39 = arith.constant 0 : i32
    %dma_start3A_40 = tpu.memref_slice %arg2[%select_n3A, %dma_start3A_38, %dma_start3A_39] : memref<4x4096x2048xf32, #tpu.memory_space<hbm>> -> memref<1x4096x2048xf32, #tpu.memory_space<hbm>>
    %dma_start3A_41 = tpu.memref_squeeze %dma_start3A_40 : memref<1x4096x2048xf32, #tpu.memory_space<hbm>> -> memref<4096x2048xf32, #tpu.memory_space<hbm>>
    %dma_start3A_42 = arith.constant 0 : i32
    %dma_start3A_43 = arith.constant 0 : i32
    %dma_start3A_44 = tpu.memref_slice %dma_start3A_41[%dma_start3A_42, %dma_start3A_43] : memref<4096x2048xf32, #tpu.memory_space<hbm>> -> memref<4096x2048xf32, #tpu.memory_space<hbm>>
    tpu.enqueue_indirect_dma source(%dma_start3A_44 : memref<4096x2048xf32, #tpu.memory_space<hbm>>) target(%arg10 : memref<8x2048xf32, #tpu.memory_space<vmem>>) offsets(%arg8 : memref<8xi32, #tpu.memory_space<vmem>>) semaphore(%arg14 : memref<!tpu.dma_semaphore, #tpu.memory_space<semaphore_mem>>)
    %dma_wait3A_45 = tpu.memref_slice %arg4[%mul3A_2] : memref<512xi32, #tpu.memory_space<hbm>> -> memref<16xi32, #tpu.memory_space<hbm>>
    %dma_wait3A_46 = tpu.memref_slice %arg4[%mul3A_2] : memref<512xi32, #tpu.memory_space<hbm>> -> memref<16xi32, #tpu.memory_space<hbm>>
    tpu.wait_dma2 semaphore(%arg15 : memref<!tpu.dma_semaphore, #tpu.memory_space<semaphore_mem>>) src(%dma_wait3A_46 : memref<16xi32, #tpu.memory_space<hbm>>) dst(%arg6 : memref<16xi32, #tpu.memory_space<vmem>>)
    %get3A = arith.constant 0 : index
    %get3A_47 = tpu.vector_load %arg6[%get3A] {strides = array<i32>} : memref<16xi32, #tpu.memory_space<vmem>>, vector<16xi32>,
    %get3A_48 = vector.shape_cast %get3A_47 : vector<16xi32> to vector<16xi32>
    %slice3A = vector.extract_strided_slice %get3A_48 {offsets = [0], sizes = [1], strides = [1]} : vector<16xi32> to vector<1xi32>
    %squeeze3A = vector.extract %slice3A[0] : i32 from vector<1xi32>
    %slice3A_49 = vector.extract_strided_slice %get3A_48 {offsets = [1], sizes = [1], strides = [1]} : vector<16xi32> to vector<1xi32>
    %squeeze3A_50 = vector.extract %slice3A_49[0] : i32 from vector<1xi32>
    %and3A_51 = arith.andi %squeeze3A, %squeeze3A_50 : i32
    %slice3A_52 = vector.extract_strided_slice %get3A_48 {offsets = [2], sizes = [1], strides = [1]} : vector<16xi32> to vector<1xi32>
    %squeeze3A_53 = vector.extract %slice3A_52[0] : i32 from vector<1xi32>
    %and3A_54 = arith.andi %and3A_51, %squeeze3A_53 : i32
    %slice3A_55 = vector.extract_strided_slice %get3A_48 {offsets = [3], sizes = [1], strides = [1]} : vector<16xi32> to vector<1xi32>
    %squeeze3A_56 = vector.extract %slice3A_55[0] : i32 from vector<1xi32>
    %and3A_57 = arith.andi %and3A_54, %squeeze3A_56 : i32
    %slice3A_58 = vector.extract_strided_slice %get3A_48 {offsets = [4], sizes = [1], strides = [1]} : vector<16xi32> to vector<1xi32>
    %squeeze3A_59 = vector.extract %slice3A_58[0] : i32 from vector<1xi32>
    %and3A_60 = arith.andi %and3A_57, %squeeze3A_59 : i32
    %slice3A_61 = vector.extract_strided_slice %get3A_48 {offsets = [5], sizes = [1], strides = [1]} : vector<16xi32> to vector<1xi32>
    %squeeze3A_62 = vector.extract %slice3A_61[0] : i32 from vector<1xi32>
    %and3A_63 = arith.andi %and3A_60, %squeeze3A_62 : i32
    %slice3A_64 = vector.extract_strided_slice %get3A_48 {offsets = [6], sizes = [1], strides = [1]} : vector<16xi32> to vector<1xi32>
    %squeeze3A_65 = vector.extract %slice3A_64[0] : i32 from vector<1xi32>
    %and3A_66 = arith.andi %and3A_63, %squeeze3A_65 : i32
    %slice3A_67 = vector.extract_strided_slice %get3A_48 {offsets = [7], sizes = [1], strides = [1]} : vector<16xi32> to vector<1xi32>
    %squeeze3A_68 = vector.extract %slice3A_67[0] : i32 from vector<1xi32>
    %and3A_69 = arith.andi %and3A_66, %squeeze3A_68 : i32
    %slice3A_70 = vector.extract_strided_slice %get3A_48 {offsets = [8], sizes = [1], strides = [1]} : vector<16xi32> to vector<1xi32>
    %squeeze3A_71 = vector.extract %slice3A_70[0] : i32 from vector<1xi32>
    %and3A_72 = arith.andi %and3A_69, %squeeze3A_71 : i32
    %slice3A_73 = vector.extract_strided_slice %get3A_48 {offsets = [9], sizes = [1], strides = [1]} : vector<16xi32> to vector<1xi32>
    %squeeze3A_74 = vector.extract %slice3A_73[0] : i32 from vector<1xi32>
    %and3A_75 = arith.andi %and3A_72, %squeeze3A_74 : i32
    %slice3A_76 = vector.extract_strided_slice %get3A_48 {offsets = [10], sizes = [1], strides = [1]} : vector<16xi32> to vector<1xi32>
    %squeeze3A_77 = vector.extract %slice3A_76[0] : i32 from vector<1xi32>
    %and3A_78 = arith.andi %and3A_75, %squeeze3A_77 : i32
    %slice3A_79 = vector.extract_strided_slice %get3A_48 {offsets = [11], sizes = [1], strides = [1]} : vector<16xi32> to vector<1xi32>
    %squeeze3A_80 = vector.extract %slice3A_79[0] : i32 from vector<1xi32>
    %and3A_81 = arith.andi %and3A_78, %squeeze3A_80 : i32
    %slice3A_82 = vector.extract_strided_slice %get3A_48 {offsets = [12], sizes = [1], strides = [1]} : vector<16xi32> to vector<1xi32>
    %squeeze3A_83 = vector.extract %slice3A_82[0] : i32 from vector<1xi32>
    %and3A_84 = arith.andi %and3A_81, %squeeze3A_83 : i32
    %slice3A_85 = vector.extract_strided_slice %get3A_48 {offsets = [13], sizes = [1], strides = [1]} : vector<16xi32> to vector<1xi32>
    %squeeze3A_86 = vector.extract %slice3A_85[0] : i32 from vector<1xi32>
    %and3A_87 = arith.andi %and3A_84, %squeeze3A_86 : i32
    %slice3A_88 = vector.extract_strided_slice %get3A_48 {offsets = [14], sizes = [1], strides = [1]} : vector<16xi32> to vector<1xi32>
    %squeeze3A_89 = vector.extract %slice3A_88[0] : i32 from vector<1xi32>
    %and3A_90 = arith.andi %and3A_87, %squeeze3A_89 : i32
    %slice3A_91 = vector.extract_strided_slice %get3A_48 {offsets = [15], sizes = [1], strides = [1]} : vector<16xi32> to vector<1xi32>
    %squeeze3A_92 = vector.extract %slice3A_91[0] : i32 from vector<1xi32>
    %and3A_93 = arith.andi %and3A_90, %squeeze3A_92 : i32
    %dma_wait3A_94 = arith.constant 0 : i32
    %dma_wait3A_95 = arith.constant 0 : i32
    %dma_wait3A_96 = tpu.memref_slice %arg2[%select_n3A, %dma_wait3A_94, %dma_wait3A_95] : memref<4x4096x2048xf32, #tpu.memory_space<hbm>> -> memref<1x4096x2048xf32, #tpu.memory_space<hbm>>
    %dma_wait3A_97 = tpu.memref_squeeze %dma_wait3A_96 : memref<1x4096x2048xf32, #tpu.memory_space<hbm>> -> memref<4096x2048xf32, #tpu.memory_space<hbm>>
    %dma_wait3A_98 = arith.constant 0 : i32
    %dma_wait3A_99 = arith.constant 0 : i32
    %dma_wait3A_100 = tpu.memref_slice %dma_wait3A_97[%dma_wait3A_98, %dma_wait3A_99] : memref<4096x2048xf32, #tpu.memory_space<hbm>> -> memref<4096x2048xf32, #tpu.memory_space<hbm>>
    tpu.wait_indirect_dma semaphore(%arg13 : memref<!tpu.dma_semaphore, #tpu.memory_space<semaphore_mem>>) src(%dma_wait3A_100 : memref<4096x2048xf32, #tpu.memory_space<hbm>>) dst(%arg9 : memref<8x2048xf32, #tpu.memory_space<vmem>>)
    %eq3A = arith.constant 0 : i32
    %eq3A_101 = arith.cmpi eq, %and3A_93, %eq3A : i32
    %convert_element_type3A = arith.extui %eq3A_101 : i1 to i32
    %cond3A = arith.constant 0 : i32
    %cond3A_102 = arith.cmpi ne, %convert_element_type3A, %cond3A : i32
    scf.if %cond3A_102 {
      %slice3A_173 = vector.extract_strided_slice %get3A_48 {offsets = [0], sizes = [1], strides = [1]} : vector<16xi32> to vector<1xi32>
      %squeeze3A_174 = vector.extract %slice3A_173[0] : i32 from vector<1xi32>
      %convert_element_type3A_175 = arith.sitofp %squeeze3A_174 : i32 to f32
      %scan3A = arith.constant 0 : i32
      %scan3A_176 = arith.constant 0 : i32
      %scan3A_177 = arith.constant 128 : i32
      %scan3A_178 = arith.addi %scan3A_176, %scan3A_177 : i32
      %scan3A_179 = arith.constant 1 : i32
      scf.for %scan3A_244 = %scan3A_176 to %scan3A_178 step %scan3A_179  : i32 {
        %mul3A_245 = arith.constant 16 : i32
        %mul3A_246 = arith.muli %scan3A_244, %mul3A_245 : i32
        %multiple_of3A = tpu.assume_multiple %mul3A_246, 16 : i32
        %get3A_247 = arith.constant 0 : i32
        %get3A_248 = arith.index_cast %get3A_247 : i32 to index
        %get3A_249 = arith.index_cast %multiple_of3A : i32 to index
        %get3A_250 = tpu.vector_load %arg9[%get3A_248, %get3A_249] {strides = array<i32>} : memref<8x2048xf32, #tpu.memory_space<vmem>>, vector<1x16xf32>,
        %get3A_251 = vector.shape_cast %get3A_250 : vector<1x16xf32> to vector<16xf32>
        %mul3A_252 = vector.broadcast %convert_element_type3A_175 : f32 to vector<16xf32>
        %mul3A_253 = arith.mulf %get3A_251, %mul3A_252 : vector<16xf32>
        %swap3A = arith.constant 0 : i32
        %swap3A_254 = arith.index_cast %swap3A : i32 to index
        %swap3A_255 = arith.index_cast %multiple_of3A : i32 to index
        %swap3A_256 = tpu.vector_load %arg9[%swap3A_254, %swap3A_255] {strides = array<i32>} : memref<8x2048xf32, #tpu.memory_space<vmem>>, vector<1x16xf32>,
        %swap3A_257 = vector.shape_cast %swap3A_256 : vector<1x16xf32> to vector<16xf32>
        %swap3A_258 = vector.shape_cast %mul3A_253 : vector<16xf32> to vector<1x16xf32>
        tpu.vector_store %arg9[%swap3A_254, %swap3A_255], %swap3A_258 {strides = array<i32>} : memref<8x2048xf32, #tpu.memory_space<vmem>>, vector<1x16xf32>,
      }
      %scan3A_180 = arith.constant 128 : i32
      %slice3A_181 = vector.extract_strided_slice %get3A_48 {offsets = [1], sizes = [1], strides = [1]} : vector<16xi32> to vector<1xi32>
      %squeeze3A_182 = vector.extract %slice3A_181[0] : i32 from vector<1xi32>
      %convert_element_type3A_183 = arith.sitofp %squeeze3A_182 : i32 to f32
      %scan3A_184 = arith.constant 0 : i32
      %scan3A_185 = arith.constant 0 : i32
      %scan3A_186 = arith.constant 128 : i32
      %scan3A_187 = arith.addi %scan3A_185, %scan3A_186 : i32
      %scan3A_188 = arith.constant 1 : i32
      scf.for %scan3A_244 = %scan3A_185 to %scan3A_187 step %scan3A_188  : i32 {
        %mul3A_245 = arith.constant 16 : i32
        %mul3A_246 = arith.muli %scan3A_244, %mul3A_245 : i32
        %multiple_of3A = tpu.assume_multiple %mul3A_246, 16 : i32
        %get3A_247 = arith.constant 1 : i32
        %get3A_248 = arith.index_cast %get3A_247 : i32 to index
        %get3A_249 = arith.index_cast %multiple_of3A : i32 to index
        %get3A_250 = tpu.vector_load %arg9[%get3A_248, %get3A_249] {strides = array<i32>} : memref<8x2048xf32, #tpu.memory_space<vmem>>, vector<1x16xf32>,
        %get3A_251 = vector.shape_cast %get3A_250 : vector<1x16xf32> to vector<16xf32>
        %mul3A_252 = vector.broadcast %convert_element_type3A_183 : f32 to vector<16xf32>
        %mul3A_253 = arith.mulf %get3A_251, %mul3A_252 : vector<16xf32>
        %swap3A = arith.constant 1 : i32
        %swap3A_254 = arith.index_cast %swap3A : i32 to index
        %swap3A_255 = arith.index_cast %multiple_of3A : i32 to index
        %swap3A_256 = tpu.vector_load %arg9[%swap3A_254, %swap3A_255] {strides = array<i32>} : memref<8x2048xf32, #tpu.memory_space<vmem>>, vector<1x16xf32>,
        %swap3A_257 = vector.shape_cast %swap3A_256 : vector<1x16xf32> to vector<16xf32>
        %swap3A_258 = vector.shape_cast %mul3A_253 : vector<16xf32> to vector<1x16xf32>
        tpu.vector_store %arg9[%swap3A_254, %swap3A_255], %swap3A_258 {strides = array<i32>} : memref<8x2048xf32, #tpu.memory_space<vmem>>, vector<1x16xf32>,
      }
      %scan3A_189 = arith.constant 128 : i32
      %slice3A_190 = vector.extract_strided_slice %get3A_48 {offsets = [2], sizes = [1], strides = [1]} : vector<16xi32> to vector<1xi32>
      %squeeze3A_191 = vector.extract %slice3A_190[0] : i32 from vector<1xi32>
      %convert_element_type3A_192 = arith.sitofp %squeeze3A_191 : i32 to f32
      %scan3A_193 = arith.constant 0 : i32
      %scan3A_194 = arith.constant 0 : i32
      %scan3A_195 = arith.constant 128 : i32
      %scan3A_196 = arith.addi %scan3A_194, %scan3A_195 : i32
      %scan3A_197 = arith.constant 1 : i32
      scf.for %scan3A_244 = %scan3A_194 to %scan3A_196 step %scan3A_197  : i32 {
        %mul3A_245 = arith.constant 16 : i32
        %mul3A_246 = arith.muli %scan3A_244, %mul3A_245 : i32
        %multiple_of3A = tpu.assume_multiple %mul3A_246, 16 : i32
        %get3A_247 = arith.constant 2 : i32
        %get3A_248 = arith.index_cast %get3A_247 : i32 to index
        %get3A_249 = arith.index_cast %multiple_of3A : i32 to index
        %get3A_250 = tpu.vector_load %arg9[%get3A_248, %get3A_249] {strides = array<i32>} : memref<8x2048xf32, #tpu.memory_space<vmem>>, vector<1x16xf32>,
        %get3A_251 = vector.shape_cast %get3A_250 : vector<1x16xf32> to vector<16xf32>
        %mul3A_252 = vector.broadcast %convert_element_type3A_192 : f32 to vector<16xf32>
        %mul3A_253 = arith.mulf %get3A_251, %mul3A_252 : vector<16xf32>
        %swap3A = arith.constant 2 : i32
        %swap3A_254 = arith.index_cast %swap3A : i32 to index
        %swap3A_255 = arith.index_cast %multiple_of3A : i32 to index
        %swap3A_256 = tpu.vector_load %arg9[%swap3A_254, %swap3A_255] {strides = array<i32>} : memref<8x2048xf32, #tpu.memory_space<vmem>>, vector<1x16xf32>,
        %swap3A_257 = vector.shape_cast %swap3A_256 : vector<1x16xf32> to vector<16xf32>
        %swap3A_258 = vector.shape_cast %mul3A_253 : vector<16xf32> to vector<1x16xf32>
        tpu.vector_store %arg9[%swap3A_254, %swap3A_255], %swap3A_258 {strides = array<i32>} : memref<8x2048xf32, #tpu.memory_space<vmem>>, vector<1x16xf32>,
      }
      %scan3A_198 = arith.constant 128 : i32
      %slice3A_199 = vector.extract_strided_slice %get3A_48 {offsets = [3], sizes = [1], strides = [1]} : vector<16xi32> to vector<1xi32>
      %squeeze3A_200 = vector.extract %slice3A_199[0] : i32 from vector<1xi32>
      %convert_element_type3A_201 = arith.sitofp %squeeze3A_200 : i32 to f32
      %scan3A_202 = arith.constant 0 : i32
      %scan3A_203 = arith.constant 0 : i32
      %scan3A_204 = arith.constant 128 : i32
      %scan3A_205 = arith.addi %scan3A_203, %scan3A_204 : i32
      %scan3A_206 = arith.constant 1 : i32
      scf.for %scan3A_244 = %scan3A_203 to %scan3A_205 step %scan3A_206  : i32 {
        %mul3A_245 = arith.constant 16 : i32
        %mul3A_246 = arith.muli %scan3A_244, %mul3A_245 : i32
        %multiple_of3A = tpu.assume_multiple %mul3A_246, 16 : i32
        %get3A_247 = arith.constant 3 : i32
        %get3A_248 = arith.index_cast %get3A_247 : i32 to index
        %get3A_249 = arith.index_cast %multiple_of3A : i32 to index
        %get3A_250 = tpu.vector_load %arg9[%get3A_248, %get3A_249] {strides = array<i32>} : memref<8x2048xf32, #tpu.memory_space<vmem>>, vector<1x16xf32>,
        %get3A_251 = vector.shape_cast %get3A_250 : vector<1x16xf32> to vector<16xf32>
        %mul3A_252 = vector.broadcast %convert_element_type3A_201 : f32 to vector<16xf32>
        %mul3A_253 = arith.mulf %get3A_251, %mul3A_252 : vector<16xf32>
        %swap3A = arith.constant 3 : i32
        %swap3A_254 = arith.index_cast %swap3A : i32 to index
        %swap3A_255 = arith.index_cast %multiple_of3A : i32 to index
        %swap3A_256 = tpu.vector_load %arg9[%swap3A_254, %swap3A_255] {strides = array<i32>} : memref<8x2048xf32, #tpu.memory_space<vmem>>, vector<1x16xf32>,
        %swap3A_257 = vector.shape_cast %swap3A_256 : vector<1x16xf32> to vector<16xf32>
        %swap3A_258 = vector.shape_cast %mul3A_253 : vector<16xf32> to vector<1x16xf32>
        tpu.vector_store %arg9[%swap3A_254, %swap3A_255], %swap3A_258 {strides = array<i32>} : memref<8x2048xf32, #tpu.memory_space<vmem>>, vector<1x16xf32>,
      }
      %scan3A_207 = arith.constant 128 : i32
      %slice3A_208 = vector.extract_strided_slice %get3A_48 {offsets = [4], sizes = [1], strides = [1]} : vector<16xi32> to vector<1xi32>
      %squeeze3A_209 = vector.extract %slice3A_208[0] : i32 from vector<1xi32>
      %convert_element_type3A_210 = arith.sitofp %squeeze3A_209 : i32 to f32
      %scan3A_211 = arith.constant 0 : i32
      %scan3A_212 = arith.constant 0 : i32
      %scan3A_213 = arith.constant 128 : i32
      %scan3A_214 = arith.addi %scan3A_212, %scan3A_213 : i32
      %scan3A_215 = arith.constant 1 : i32
      scf.for %scan3A_244 = %scan3A_212 to %scan3A_214 step %scan3A_215  : i32 {
        %mul3A_245 = arith.constant 16 : i32
        %mul3A_246 = arith.muli %scan3A_244, %mul3A_245 : i32
        %multiple_of3A = tpu.assume_multiple %mul3A_246, 16 : i32
        %get3A_247 = arith.constant 4 : i32
        %get3A_248 = arith.index_cast %get3A_247 : i32 to index
        %get3A_249 = arith.index_cast %multiple_of3A : i32 to index
        %get3A_250 = tpu.vector_load %arg9[%get3A_248, %get3A_249] {strides = array<i32>} : memref<8x2048xf32, #tpu.memory_space<vmem>>, vector<1x16xf32>,
        %get3A_251 = vector.shape_cast %get3A_250 : vector<1x16xf32> to vector<16xf32>
        %mul3A_252 = vector.broadcast %convert_element_type3A_210 : f32 to vector<16xf32>
        %mul3A_253 = arith.mulf %get3A_251, %mul3A_252 : vector<16xf32>
        %swap3A = arith.constant 4 : i32
        %swap3A_254 = arith.index_cast %swap3A : i32 to index
        %swap3A_255 = arith.index_cast %multiple_of3A : i32 to index
        %swap3A_256 = tpu.vector_load %arg9[%swap3A_254, %swap3A_255] {strides = array<i32>} : memref<8x2048xf32, #tpu.memory_space<vmem>>, vector<1x16xf32>,
        %swap3A_257 = vector.shape_cast %swap3A_256 : vector<1x16xf32> to vector<16xf32>
        %swap3A_258 = vector.shape_cast %mul3A_253 : vector<16xf32> to vector<1x16xf32>
        tpu.vector_store %arg9[%swap3A_254, %swap3A_255], %swap3A_258 {strides = array<i32>} : memref<8x2048xf32, #tpu.memory_space<vmem>>, vector<1x16xf32>,
      }
      %scan3A_216 = arith.constant 128 : i32
      %slice3A_217 = vector.extract_strided_slice %get3A_48 {offsets = [5], sizes = [1], strides = [1]} : vector<16xi32> to vector<1xi32>
      %squeeze3A_218 = vector.extract %slice3A_217[0] : i32 from vector<1xi32>
      %convert_element_type3A_219 = arith.sitofp %squeeze3A_218 : i32 to f32
      %scan3A_220 = arith.constant 0 : i32
      %scan3A_221 = arith.constant 0 : i32
      %scan3A_222 = arith.constant 128 : i32
      %scan3A_223 = arith.addi %scan3A_221, %scan3A_222 : i32
      %scan3A_224 = arith.constant 1 : i32
      scf.for %scan3A_244 = %scan3A_221 to %scan3A_223 step %scan3A_224  : i32 {
        %mul3A_245 = arith.constant 16 : i32
        %mul3A_246 = arith.muli %scan3A_244, %mul3A_245 : i32
        %multiple_of3A = tpu.assume_multiple %mul3A_246, 16 : i32
        %get3A_247 = arith.constant 5 : i32
        %get3A_248 = arith.index_cast %get3A_247 : i32 to index
        %get3A_249 = arith.index_cast %multiple_of3A : i32 to index
        %get3A_250 = tpu.vector_load %arg9[%get3A_248, %get3A_249] {strides = array<i32>} : memref<8x2048xf32, #tpu.memory_space<vmem>>, vector<1x16xf32>,
        %get3A_251 = vector.shape_cast %get3A_250 : vector<1x16xf32> to vector<16xf32>
        %mul3A_252 = vector.broadcast %convert_element_type3A_219 : f32 to vector<16xf32>
        %mul3A_253 = arith.mulf %get3A_251, %mul3A_252 : vector<16xf32>
        %swap3A = arith.constant 5 : i32
        %swap3A_254 = arith.index_cast %swap3A : i32 to index
        %swap3A_255 = arith.index_cast %multiple_of3A : i32 to index
        %swap3A_256 = tpu.vector_load %arg9[%swap3A_254, %swap3A_255] {strides = array<i32>} : memref<8x2048xf32, #tpu.memory_space<vmem>>, vector<1x16xf32>,
        %swap3A_257 = vector.shape_cast %swap3A_256 : vector<1x16xf32> to vector<16xf32>
        %swap3A_258 = vector.shape_cast %mul3A_253 : vector<16xf32> to vector<1x16xf32>
        tpu.vector_store %arg9[%swap3A_254, %swap3A_255], %swap3A_258 {strides = array<i32>} : memref<8x2048xf32, #tpu.memory_space<vmem>>, vector<1x16xf32>,
      }
      %scan3A_225 = arith.constant 128 : i32
      %slice3A_226 = vector.extract_strided_slice %get3A_48 {offsets = [6], sizes = [1], strides = [1]} : vector<16xi32> to vector<1xi32>
      %squeeze3A_227 = vector.extract %slice3A_226[0] : i32 from vector<1xi32>
      %convert_element_type3A_228 = arith.sitofp %squeeze3A_227 : i32 to f32
      %scan3A_229 = arith.constant 0 : i32
      %scan3A_230 = arith.constant 0 : i32
      %scan3A_231 = arith.constant 128 : i32
      %scan3A_232 = arith.addi %scan3A_230, %scan3A_231 : i32
      %scan3A_233 = arith.constant 1 : i32
      scf.for %scan3A_244 = %scan3A_230 to %scan3A_232 step %scan3A_233  : i32 {
        %mul3A_245 = arith.constant 16 : i32
        %mul3A_246 = arith.muli %scan3A_244, %mul3A_245 : i32
        %multiple_of3A = tpu.assume_multiple %mul3A_246, 16 : i32
        %get3A_247 = arith.constant 6 : i32
        %get3A_248 = arith.index_cast %get3A_247 : i32 to index
        %get3A_249 = arith.index_cast %multiple_of3A : i32 to index
        %get3A_250 = tpu.vector_load %arg9[%get3A_248, %get3A_249] {strides = array<i32>} : memref<8x2048xf32, #tpu.memory_space<vmem>>, vector<1x16xf32>,
        %get3A_251 = vector.shape_cast %get3A_250 : vector<1x16xf32> to vector<16xf32>
        %mul3A_252 = vector.broadcast %convert_element_type3A_228 : f32 to vector<16xf32>
        %mul3A_253 = arith.mulf %get3A_251, %mul3A_252 : vector<16xf32>
        %swap3A = arith.constant 6 : i32
        %swap3A_254 = arith.index_cast %swap3A : i32 to index
        %swap3A_255 = arith.index_cast %multiple_of3A : i32 to index
        %swap3A_256 = tpu.vector_load %arg9[%swap3A_254, %swap3A_255] {strides = array<i32>} : memref<8x2048xf32, #tpu.memory_space<vmem>>, vector<1x16xf32>,
        %swap3A_257 = vector.shape_cast %swap3A_256 : vector<1x16xf32> to vector<16xf32>
        %swap3A_258 = vector.shape_cast %mul3A_253 : vector<16xf32> to vector<1x16xf32>
        tpu.vector_store %arg9[%swap3A_254, %swap3A_255], %swap3A_258 {strides = array<i32>} : memref<8x2048xf32, #tpu.memory_space<vmem>>, vector<1x16xf32>,
      }
      %scan3A_234 = arith.constant 128 : i32
      %slice3A_235 = vector.extract_strided_slice %get3A_48 {offsets = [7], sizes = [1], strides = [1]} : vector<16xi32> to vector<1xi32>
      %squeeze3A_236 = vector.extract %slice3A_235[0] : i32 from vector<1xi32>
      %convert_element_type3A_237 = arith.sitofp %squeeze3A_236 : i32 to f32
      %scan3A_238 = arith.constant 0 : i32
      %scan3A_239 = arith.constant 0 : i32
      %scan3A_240 = arith.constant 128 : i32
      %scan3A_241 = arith.addi %scan3A_239, %scan3A_240 : i32
      %scan3A_242 = arith.constant 1 : i32
      scf.for %scan3A_244 = %scan3A_239 to %scan3A_241 step %scan3A_242  : i32 {
        %mul3A_245 = arith.constant 16 : i32
        %mul3A_246 = arith.muli %scan3A_244, %mul3A_245 : i32
        %multiple_of3A = tpu.assume_multiple %mul3A_246, 16 : i32
        %get3A_247 = arith.constant 7 : i32
        %get3A_248 = arith.index_cast %get3A_247 : i32 to index
        %get3A_249 = arith.index_cast %multiple_of3A : i32 to index
        %get3A_250 = tpu.vector_load %arg9[%get3A_248, %get3A_249] {strides = array<i32>} : memref<8x2048xf32, #tpu.memory_space<vmem>>, vector<1x16xf32>,
        %get3A_251 = vector.shape_cast %get3A_250 : vector<1x16xf32> to vector<16xf32>
        %mul3A_252 = vector.broadcast %convert_element_type3A_237 : f32 to vector<16xf32>
        %mul3A_253 = arith.mulf %get3A_251, %mul3A_252 : vector<16xf32>
        %swap3A = arith.constant 7 : i32
        %swap3A_254 = arith.index_cast %swap3A : i32 to index
        %swap3A_255 = arith.index_cast %multiple_of3A : i32 to index
        %swap3A_256 = tpu.vector_load %arg9[%swap3A_254, %swap3A_255] {strides = array<i32>} : memref<8x2048xf32, #tpu.memory_space<vmem>>, vector<1x16xf32>,
        %swap3A_257 = vector.shape_cast %swap3A_256 : vector<1x16xf32> to vector<16xf32>
        %swap3A_258 = vector.shape_cast %mul3A_253 : vector<16xf32> to vector<1x16xf32>
        tpu.vector_store %arg9[%swap3A_254, %swap3A_255], %swap3A_258 {strides = array<i32>} : memref<8x2048xf32, #tpu.memory_space<vmem>>, vector<1x16xf32>,
      }
      %scan3A_243 = arith.constant 128 : i32
    } else {
    }
    %mul3A_103 = arith.constant 128 : i32
    %mul3A_104 = arith.muli %select_n3A, %mul3A_103 : i32
    %sub3A_105 = arith.subi %mul3A_2, %mul3A_104 : i32
    %add3A_106 = arith.constant 0 : i32
    %add3A_107 = arith.addi %sub3A_105, %add3A_106 : i32
    %dma_start3A_108 = arith.constant 0 : i32
    %dma_start3A_109 = arith.constant 0 : i32
    %dma_start3A_110 = tpu.memref_slice %arg5[%select_n3A, %dma_start3A_108, %dma_start3A_109] : memref<4x128x2048xf32, #tpu.memory_space<hbm>> -> memref<1x128x2048xf32, #tpu.memory_space<hbm>>
    %dma_start3A_111 = tpu.memref_squeeze %dma_start3A_110 : memref<1x128x2048xf32, #tpu.memory_space<hbm>> -> memref<128x2048xf32, #tpu.memory_space<hbm>>
    %dma_start3A_112 = arith.constant 0 : i32
    %dma_start3A_113 = tpu.memref_slice %dma_start3A_111[%add3A_107, %dma_start3A_112] : memref<128x2048xf32, #tpu.memory_space<hbm>> -> memref<8x2048xf32, #tpu.memory_space<hbm>>
    %dma_start3A_114 = arith.constant 0 : i32
    %dma_start3A_115 = arith.constant 0 : i32
    %dma_start3A_116 = tpu.memref_slice %arg5[%select_n3A, %dma_start3A_114, %dma_start3A_115] : memref<4x128x2048xf32, #tpu.memory_space<hbm>> -> memref<1x128x2048xf32, #tpu.memory_space<hbm>>
    %dma_start3A_117 = tpu.memref_squeeze %dma_start3A_116 : memref<1x128x2048xf32, #tpu.memory_space<hbm>> -> memref<128x2048xf32, #tpu.memory_space<hbm>>
    %dma_start3A_118 = arith.constant 0 : i32
    %dma_start3A_119 = tpu.memref_slice %dma_start3A_117[%add3A_107, %dma_start3A_118] : memref<128x2048xf32, #tpu.memory_space<hbm>> -> memref<8x2048xf32, #tpu.memory_space<hbm>>
    tpu.enqueue_dma source(%arg9 : memref<8x2048xf32, #tpu.memory_space<vmem>>) target(%dma_start3A_119 : memref<8x2048xf32, #tpu.memory_space<hbm>>) target_semaphore(%arg16 : memref<!tpu.dma_semaphore, #tpu.memory_space<semaphore_mem>>)
    %dma_wait3A_120 = arith.constant 0 : i32
    %dma_wait3A_121 = arith.constant 0 : i32
    %dma_wait3A_122 = tpu.memref_slice %arg2[%select_n3A, %dma_wait3A_120, %dma_wait3A_121] : memref<4x4096x2048xf32, #tpu.memory_space<hbm>> -> memref<1x4096x2048xf32, #tpu.memory_space<hbm>>
    %dma_wait3A_123 = tpu.memref_squeeze %dma_wait3A_122 : memref<1x4096x2048xf32, #tpu.memory_space<hbm>> -> memref<4096x2048xf32, #tpu.memory_space<hbm>>
    %dma_wait3A_124 = arith.constant 0 : i32
    %dma_wait3A_125 = arith.constant 0 : i32
    %dma_wait3A_126 = tpu.memref_slice %dma_wait3A_123[%dma_wait3A_124, %dma_wait3A_125] : memref<4096x2048xf32, #tpu.memory_space<hbm>> -> memref<4096x2048xf32, #tpu.memory_space<hbm>>
    tpu.wait_indirect_dma semaphore(%arg14 : memref<!tpu.dma_semaphore, #tpu.memory_space<semaphore_mem>>) src(%dma_wait3A_126 : memref<4096x2048xf32, #tpu.memory_space<hbm>>) dst(%arg10 : memref<8x2048xf32, #tpu.memory_space<vmem>>)
    %eq3A_127 = arith.constant 0 : i32
    %eq3A_128 = arith.cmpi eq, %and3A_93, %eq3A_127 : i32
    %convert_element_type3A_129 = arith.extui %eq3A_128 : i1 to i32
    %cond3A_130 = arith.constant 0 : i32
    %cond3A_131 = arith.cmpi ne, %convert_element_type3A_129, %cond3A_130 : i32
    scf.if %cond3A_131 {
      %slice3A_173 = vector.extract_strided_slice %get3A_48 {offsets = [8], sizes = [1], strides = [1]} : vector<16xi32> to vector<1xi32>
      %squeeze3A_174 = vector.extract %slice3A_173[0] : i32 from vector<1xi32>
      %convert_element_type3A_175 = arith.sitofp %squeeze3A_174 : i32 to f32
      %scan3A = arith.constant 0 : i32
      %scan3A_176 = arith.constant 0 : i32
      %scan3A_177 = arith.constant 128 : i32
      %scan3A_178 = arith.addi %scan3A_176, %scan3A_177 : i32
      %scan3A_179 = arith.constant 1 : i32
      scf.for %scan3A_244 = %scan3A_176 to %scan3A_178 step %scan3A_179  : i32 {
        %mul3A_245 = arith.constant 16 : i32
        %mul3A_246 = arith.muli %scan3A_244, %mul3A_245 : i32
        %multiple_of3A = tpu.assume_multiple %mul3A_246, 16 : i32
        %get3A_247 = arith.constant 0 : i32
        %get3A_248 = arith.index_cast %get3A_247 : i32 to index
        %get3A_249 = arith.index_cast %multiple_of3A : i32 to index
        %get3A_250 = tpu.vector_load %arg10[%get3A_248, %get3A_249] {strides = array<i32>} : memref<8x2048xf32, #tpu.memory_space<vmem>>, vector<1x16xf32>,
        %get3A_251 = vector.shape_cast %get3A_250 : vector<1x16xf32> to vector<16xf32>
        %mul3A_252 = vector.broadcast %convert_element_type3A_175 : f32 to vector<16xf32>
        %mul3A_253 = arith.mulf %get3A_251, %mul3A_252 : vector<16xf32>
        %swap3A = arith.constant 0 : i32
        %swap3A_254 = arith.index_cast %swap3A : i32 to index
        %swap3A_255 = arith.index_cast %multiple_of3A : i32 to index
        %swap3A_256 = tpu.vector_load %arg10[%swap3A_254, %swap3A_255] {strides = array<i32>} : memref<8x2048xf32, #tpu.memory_space<vmem>>, vector<1x16xf32>,
        %swap3A_257 = vector.shape_cast %swap3A_256 : vector<1x16xf32> to vector<16xf32>
        %swap3A_258 = vector.shape_cast %mul3A_253 : vector<16xf32> to vector<1x16xf32>
        tpu.vector_store %arg10[%swap3A_254, %swap3A_255], %swap3A_258 {strides = array<i32>} : memref<8x2048xf32, #tpu.memory_space<vmem>>, vector<1x16xf32>,
      }
      %scan3A_180 = arith.constant 128 : i32
      %slice3A_181 = vector.extract_strided_slice %get3A_48 {offsets = [9], sizes = [1], strides = [1]} : vector<16xi32> to vector<1xi32>
      %squeeze3A_182 = vector.extract %slice3A_181[0] : i32 from vector<1xi32>
      %convert_element_type3A_183 = arith.sitofp %squeeze3A_182 : i32 to f32
      %scan3A_184 = arith.constant 0 : i32
      %scan3A_185 = arith.constant 0 : i32
      %scan3A_186 = arith.constant 128 : i32
      %scan3A_187 = arith.addi %scan3A_185, %scan3A_186 : i32
      %scan3A_188 = arith.constant 1 : i32
      scf.for %scan3A_244 = %scan3A_185 to %scan3A_187 step %scan3A_188  : i32 {
        %mul3A_245 = arith.constant 16 : i32
        %mul3A_246 = arith.muli %scan3A_244, %mul3A_245 : i32
        %multiple_of3A = tpu.assume_multiple %mul3A_246, 16 : i32
        %get3A_247 = arith.constant 1 : i32
        %get3A_248 = arith.index_cast %get3A_247 : i32 to index
        %get3A_249 = arith.index_cast %multiple_of3A : i32 to index
        %get3A_250 = tpu.vector_load %arg10[%get3A_248, %get3A_249] {strides = array<i32>} : memref<8x2048xf32, #tpu.memory_space<vmem>>, vector<1x16xf32>,
        %get3A_251 = vector.shape_cast %get3A_250 : vector<1x16xf32> to vector<16xf32>
        %mul3A_252 = vector.broadcast %convert_element_type3A_183 : f32 to vector<16xf32>
        %mul3A_253 = arith.mulf %get3A_251, %mul3A_252 : vector<16xf32>
        %swap3A = arith.constant 1 : i32
        %swap3A_254 = arith.index_cast %swap3A : i32 to index
        %swap3A_255 = arith.index_cast %multiple_of3A : i32 to index
        %swap3A_256 = tpu.vector_load %arg10[%swap3A_254, %swap3A_255] {strides = array<i32>} : memref<8x2048xf32, #tpu.memory_space<vmem>>, vector<1x16xf32>,
        %swap3A_257 = vector.shape_cast %swap3A_256 : vector<1x16xf32> to vector<16xf32>
        %swap3A_258 = vector.shape_cast %mul3A_253 : vector<16xf32> to vector<1x16xf32>
        tpu.vector_store %arg10[%swap3A_254, %swap3A_255], %swap3A_258 {strides = array<i32>} : memref<8x2048xf32, #tpu.memory_space<vmem>>, vector<1x16xf32>,
      }
      %scan3A_189 = arith.constant 128 : i32
      %slice3A_190 = vector.extract_strided_slice %get3A_48 {offsets = [10], sizes = [1], strides = [1]} : vector<16xi32> to vector<1xi32>
      %squeeze3A_191 = vector.extract %slice3A_190[0] : i32 from vector<1xi32>
      %convert_element_type3A_192 = arith.sitofp %squeeze3A_191 : i32 to f32
      %scan3A_193 = arith.constant 0 : i32
      %scan3A_194 = arith.constant 0 : i32
      %scan3A_195 = arith.constant 128 : i32
      %scan3A_196 = arith.addi %scan3A_194, %scan3A_195 : i32
      %scan3A_197 = arith.constant 1 : i32
      scf.for %scan3A_244 = %scan3A_194 to %scan3A_196 step %scan3A_197  : i32 {
        %mul3A_245 = arith.constant 16 : i32
        %mul3A_246 = arith.muli %scan3A_244, %mul3A_245 : i32
        %multiple_of3A = tpu.assume_multiple %mul3A_246, 16 : i32
        %get3A_247 = arith.constant 2 : i32
        %get3A_248 = arith.index_cast %get3A_247 : i32 to index
        %get3A_249 = arith.index_cast %multiple_of3A : i32 to index
        %get3A_250 = tpu.vector_load %arg10[%get3A_248, %get3A_249] {strides = array<i32>} : memref<8x2048xf32, #tpu.memory_space<vmem>>, vector<1x16xf32>,
        %get3A_251 = vector.shape_cast %get3A_250 : vector<1x16xf32> to vector<16xf32>
        %mul3A_252 = vector.broadcast %convert_element_type3A_192 : f32 to vector<16xf32>
        %mul3A_253 = arith.mulf %get3A_251, %mul3A_252 : vector<16xf32>
        %swap3A = arith.constant 2 : i32
        %swap3A_254 = arith.index_cast %swap3A : i32 to index
        %swap3A_255 = arith.index_cast %multiple_of3A : i32 to index
        %swap3A_256 = tpu.vector_load %arg10[%swap3A_254, %swap3A_255] {strides = array<i32>} : memref<8x2048xf32, #tpu.memory_space<vmem>>, vector<1x16xf32>,
        %swap3A_257 = vector.shape_cast %swap3A_256 : vector<1x16xf32> to vector<16xf32>
        %swap3A_258 = vector.shape_cast %mul3A_253 : vector<16xf32> to vector<1x16xf32>
        tpu.vector_store %arg10[%swap3A_254, %swap3A_255], %swap3A_258 {strides = array<i32>} : memref<8x2048xf32, #tpu.memory_space<vmem>>, vector<1x16xf32>,
      }
      %scan3A_198 = arith.constant 128 : i32
      %slice3A_199 = vector.extract_strided_slice %get3A_48 {offsets = [11], sizes = [1], strides = [1]} : vector<16xi32> to vector<1xi32>
      %squeeze3A_200 = vector.extract %slice3A_199[0] : i32 from vector<1xi32>
      %convert_element_type3A_201 = arith.sitofp %squeeze3A_200 : i32 to f32
      %scan3A_202 = arith.constant 0 : i32
      %scan3A_203 = arith.constant 0 : i32
      %scan3A_204 = arith.constant 128 : i32
      %scan3A_205 = arith.addi %scan3A_203, %scan3A_204 : i32
      %scan3A_206 = arith.constant 1 : i32
      scf.for %scan3A_244 = %scan3A_203 to %scan3A_205 step %scan3A_206  : i32 {
        %mul3A_245 = arith.constant 16 : i32
        %mul3A_246 = arith.muli %scan3A_244, %mul3A_245 : i32
        %multiple_of3A = tpu.assume_multiple %mul3A_246, 16 : i32
        %get3A_247 = arith.constant 3 : i32
        %get3A_248 = arith.index_cast %get3A_247 : i32 to index
        %get3A_249 = arith.index_cast %multiple_of3A : i32 to index
        %get3A_250 = tpu.vector_load %arg10[%get3A_248, %get3A_249] {strides = array<i32>} : memref<8x2048xf32, #tpu.memory_space<vmem>>, vector<1x16xf32>,
        %get3A_251 = vector.shape_cast %get3A_250 : vector<1x16xf32> to vector<16xf32>
        %mul3A_252 = vector.broadcast %convert_element_type3A_201 : f32 to vector<16xf32>
        %mul3A_253 = arith.mulf %get3A_251, %mul3A_252 : vector<16xf32>
        %swap3A = arith.constant 3 : i32
        %swap3A_254 = arith.index_cast %swap3A : i32 to index
        %swap3A_255 = arith.index_cast %multiple_of3A : i32 to index
        %swap3A_256 = tpu.vector_load %arg10[%swap3A_254, %swap3A_255] {strides = array<i32>} : memref<8x2048xf32, #tpu.memory_space<vmem>>, vector<1x16xf32>,
        %swap3A_257 = vector.shape_cast %swap3A_256 : vector<1x16xf32> to vector<16xf32>
        %swap3A_258 = vector.shape_cast %mul3A_253 : vector<16xf32> to vector<1x16xf32>
        tpu.vector_store %arg10[%swap3A_254, %swap3A_255], %swap3A_258 {strides = array<i32>} : memref<8x2048xf32, #tpu.memory_space<vmem>>, vector<1x16xf32>,
      }
      %scan3A_207 = arith.constant 128 : i32
      %slice3A_208 = vector.extract_strided_slice %get3A_48 {offsets = [12], sizes = [1], strides = [1]} : vector<16xi32> to vector<1xi32>
      %squeeze3A_209 = vector.extract %slice3A_208[0] : i32 from vector<1xi32>
      %convert_element_type3A_210 = arith.sitofp %squeeze3A_209 : i32 to f32
      %scan3A_211 = arith.constant 0 : i32
      %scan3A_212 = arith.constant 0 : i32
      %scan3A_213 = arith.constant 128 : i32
      %scan3A_214 = arith.addi %scan3A_212, %scan3A_213 : i32
      %scan3A_215 = arith.constant 1 : i32
      scf.for %scan3A_244 = %scan3A_212 to %scan3A_214 step %scan3A_215  : i32 {
        %mul3A_245 = arith.constant 16 : i32
        %mul3A_246 = arith.muli %scan3A_244, %mul3A_245 : i32
        %multiple_of3A = tpu.assume_multiple %mul3A_246, 16 : i32
        %get3A_247 = arith.constant 4 : i32
        %get3A_248 = arith.index_cast %get3A_247 : i32 to index
        %get3A_249 = arith.index_cast %multiple_of3A : i32 to index
        %get3A_250 = tpu.vector_load %arg10[%get3A_248, %get3A_249] {strides = array<i32>} : memref<8x2048xf32, #tpu.memory_space<vmem>>, vector<1x16xf32>,
        %get3A_251 = vector.shape_cast %get3A_250 : vector<1x16xf32> to vector<16xf32>
        %mul3A_252 = vector.broadcast %convert_element_type3A_210 : f32 to vector<16xf32>
        %mul3A_253 = arith.mulf %get3A_251, %mul3A_252 : vector<16xf32>
        %swap3A = arith.constant 4 : i32
        %swap3A_254 = arith.index_cast %swap3A : i32 to index
        %swap3A_255 = arith.index_cast %multiple_of3A : i32 to index
        %swap3A_256 = tpu.vector_load %arg10[%swap3A_254, %swap3A_255] {strides = array<i32>} : memref<8x2048xf32, #tpu.memory_space<vmem>>, vector<1x16xf32>,
        %swap3A_257 = vector.shape_cast %swap3A_256 : vector<1x16xf32> to vector<16xf32>
        %swap3A_258 = vector.shape_cast %mul3A_253 : vector<16xf32> to vector<1x16xf32>
        tpu.vector_store %arg10[%swap3A_254, %swap3A_255], %swap3A_258 {strides = array<i32>} : memref<8x2048xf32, #tpu.memory_space<vmem>>, vector<1x16xf32>,
      }
      %scan3A_216 = arith.constant 128 : i32
      %slice3A_217 = vector.extract_strided_slice %get3A_48 {offsets = [13], sizes = [1], strides = [1]} : vector<16xi32> to vector<1xi32>
      %squeeze3A_218 = vector.extract %slice3A_217[0] : i32 from vector<1xi32>
      %convert_element_type3A_219 = arith.sitofp %squeeze3A_218 : i32 to f32
      %scan3A_220 = arith.constant 0 : i32
      %scan3A_221 = arith.constant 0 : i32
      %scan3A_222 = arith.constant 128 : i32
      %scan3A_223 = arith.addi %scan3A_221, %scan3A_222 : i32
      %scan3A_224 = arith.constant 1 : i32
      scf.for %scan3A_244 = %scan3A_221 to %scan3A_223 step %scan3A_224  : i32 {
        %mul3A_245 = arith.constant 16 : i32
        %mul3A_246 = arith.muli %scan3A_244, %mul3A_245 : i32
        %multiple_of3A = tpu.assume_multiple %mul3A_246, 16 : i32
        %get3A_247 = arith.constant 5 : i32
        %get3A_248 = arith.index_cast %get3A_247 : i32 to index
        %get3A_249 = arith.index_cast %multiple_of3A : i32 to index
        %get3A_250 = tpu.vector_load %arg10[%get3A_248, %get3A_249] {strides = array<i32>} : memref<8x2048xf32, #tpu.memory_space<vmem>>, vector<1x16xf32>,
        %get3A_251 = vector.shape_cast %get3A_250 : vector<1x16xf32> to vector<16xf32>
        %mul3A_252 = vector.broadcast %convert_element_type3A_219 : f32 to vector<16xf32>
        %mul3A_253 = arith.mulf %get3A_251, %mul3A_252 : vector<16xf32>
        %swap3A = arith.constant 5 : i32
        %swap3A_254 = arith.index_cast %swap3A : i32 to index
        %swap3A_255 = arith.index_cast %multiple_of3A : i32 to index
        %swap3A_256 = tpu.vector_load %arg10[%swap3A_254, %swap3A_255] {strides = array<i32>} : memref<8x2048xf32, #tpu.memory_space<vmem>>, vector<1x16xf32>,
        %swap3A_257 = vector.shape_cast %swap3A_256 : vector<1x16xf32> to vector<16xf32>
        %swap3A_258 = vector.shape_cast %mul3A_253 : vector<16xf32> to vector<1x16xf32>
        tpu.vector_store %arg10[%swap3A_254, %swap3A_255], %swap3A_258 {strides = array<i32>} : memref<8x2048xf32, #tpu.memory_space<vmem>>, vector<1x16xf32>,
      }
      %scan3A_225 = arith.constant 128 : i32
      %slice3A_226 = vector.extract_strided_slice %get3A_48 {offsets = [14], sizes = [1], strides = [1]} : vector<16xi32> to vector<1xi32>
      %squeeze3A_227 = vector.extract %slice3A_226[0] : i32 from vector<1xi32>
      %convert_element_type3A_228 = arith.sitofp %squeeze3A_227 : i32 to f32
      %scan3A_229 = arith.constant 0 : i32
      %scan3A_230 = arith.constant 0 : i32
      %scan3A_231 = arith.constant 128 : i32
      %scan3A_232 = arith.addi %scan3A_230, %scan3A_231 : i32
      %scan3A_233 = arith.constant 1 : i32
      scf.for %scan3A_244 = %scan3A_230 to %scan3A_232 step %scan3A_233  : i32 {
        %mul3A_245 = arith.constant 16 : i32
        %mul3A_246 = arith.muli %scan3A_244, %mul3A_245 : i32
        %multiple_of3A = tpu.assume_multiple %mul3A_246, 16 : i32
        %get3A_247 = arith.constant 6 : i32
        %get3A_248 = arith.index_cast %get3A_247 : i32 to index
        %get3A_249 = arith.index_cast %multiple_of3A : i32 to index
        %get3A_250 = tpu.vector_load %arg10[%get3A_248, %get3A_249] {strides = array<i32>} : memref<8x2048xf32, #tpu.memory_space<vmem>>, vector<1x16xf32>,
        %get3A_251 = vector.shape_cast %get3A_250 : vector<1x16xf32> to vector<16xf32>
        %mul3A_252 = vector.broadcast %convert_element_type3A_228 : f32 to vector<16xf32>
        %mul3A_253 = arith.mulf %get3A_251, %mul3A_252 : vector<16xf32>
        %swap3A = arith.constant 6 : i32
        %swap3A_254 = arith.index_cast %swap3A : i32 to index
        %swap3A_255 = arith.index_cast %multiple_of3A : i32 to index
        %swap3A_256 = tpu.vector_load %arg10[%swap3A_254, %swap3A_255] {strides = array<i32>} : memref<8x2048xf32, #tpu.memory_space<vmem>>, vector<1x16xf32>,
        %swap3A_257 = vector.shape_cast %swap3A_256 : vector<1x16xf32> to vector<16xf32>
        %swap3A_258 = vector.shape_cast %mul3A_253 : vector<16xf32> to vector<1x16xf32>
        tpu.vector_store %arg10[%swap3A_254, %swap3A_255], %swap3A_258 {strides = array<i32>} : memref<8x2048xf32, #tpu.memory_space<vmem>>, vector<1x16xf32>,
      }
      %scan3A_234 = arith.constant 128 : i32
      %slice3A_235 = vector.extract_strided_slice %get3A_48 {offsets = [15], sizes = [1], strides = [1]} : vector<16xi32> to vector<1xi32>
      %squeeze3A_236 = vector.extract %slice3A_235[0] : i32 from vector<1xi32>
      %convert_element_type3A_237 = arith.sitofp %squeeze3A_236 : i32 to f32
      %scan3A_238 = arith.constant 0 : i32
      %scan3A_239 = arith.constant 0 : i32
      %scan3A_240 = arith.constant 128 : i32
      %scan3A_241 = arith.addi %scan3A_239, %scan3A_240 : i32
      %scan3A_242 = arith.constant 1 : i32
      scf.for %scan3A_244 = %scan3A_239 to %scan3A_241 step %scan3A_242  : i32 {
        %mul3A_245 = arith.constant 16 : i32
        %mul3A_246 = arith.muli %scan3A_244, %mul3A_245 : i32
        %multiple_of3A = tpu.assume_multiple %mul3A_246, 16 : i32
        %get3A_247 = arith.constant 7 : i32
        %get3A_248 = arith.index_cast %get3A_247 : i32 to index
        %get3A_249 = arith.index_cast %multiple_of3A : i32 to index
        %get3A_250 = tpu.vector_load %arg10[%get3A_248, %get3A_249] {strides = array<i32>} : memref<8x2048xf32, #tpu.memory_space<vmem>>, vector<1x16xf32>,
        %get3A_251 = vector.shape_cast %get3A_250 : vector<1x16xf32> to vector<16xf32>
        %mul3A_252 = vector.broadcast %convert_element_type3A_237 : f32 to vector<16xf32>
        %mul3A_253 = arith.mulf %get3A_251, %mul3A_252 : vector<16xf32>
        %swap3A = arith.constant 7 : i32
        %swap3A_254 = arith.index_cast %swap3A : i32 to index
        %swap3A_255 = arith.index_cast %multiple_of3A : i32 to index
        %swap3A_256 = tpu.vector_load %arg10[%swap3A_254, %swap3A_255] {strides = array<i32>} : memref<8x2048xf32, #tpu.memory_space<vmem>>, vector<1x16xf32>,
        %swap3A_257 = vector.shape_cast %swap3A_256 : vector<1x16xf32> to vector<16xf32>
        %swap3A_258 = vector.shape_cast %mul3A_253 : vector<16xf32> to vector<1x16xf32>
        tpu.vector_store %arg10[%swap3A_254, %swap3A_255], %swap3A_258 {strides = array<i32>} : memref<8x2048xf32, #tpu.memory_space<vmem>>, vector<1x16xf32>,
      }
      %scan3A_243 = arith.constant 128 : i32
    } else {
    }
    %mul3A_132 = arith.constant 128 : i32
    %mul3A_133 = arith.muli %select_n3A, %mul3A_132 : i32
    %sub3A_134 = arith.subi %mul3A_2, %mul3A_133 : i32
    %add3A_135 = arith.constant 8 : i32
    %add3A_136 = arith.addi %sub3A_134, %add3A_135 : i32
    %dma_start3A_137 = arith.constant 0 : i32
    %dma_start3A_138 = arith.constant 0 : i32
    %dma_start3A_139 = tpu.memref_slice %arg5[%select_n3A, %dma_start3A_137, %dma_start3A_138] : memref<4x128x2048xf32, #tpu.memory_space<hbm>> -> memref<1x128x2048xf32, #tpu.memory_space<hbm>>
    %dma_start3A_140 = tpu.memref_squeeze %dma_start3A_139 : memref<1x128x2048xf32, #tpu.memory_space<hbm>> -> memref<128x2048xf32, #tpu.memory_space<hbm>>
    %dma_start3A_141 = arith.constant 0 : i32
    %dma_start3A_142 = tpu.memref_slice %dma_start3A_140[%add3A_136, %dma_start3A_141] : memref<128x2048xf32, #tpu.memory_space<hbm>> -> memref<8x2048xf32, #tpu.memory_space<hbm>>
    %dma_start3A_143 = arith.constant 0 : i32
    %dma_start3A_144 = arith.constant 0 : i32
    %dma_start3A_145 = tpu.memref_slice %arg5[%select_n3A, %dma_start3A_143, %dma_start3A_144] : memref<4x128x2048xf32, #tpu.memory_space<hbm>> -> memref<1x128x2048xf32, #tpu.memory_space<hbm>>
    %dma_start3A_146 = tpu.memref_squeeze %dma_start3A_145 : memref<1x128x2048xf32, #tpu.memory_space<hbm>> -> memref<128x2048xf32, #tpu.memory_space<hbm>>
    %dma_start3A_147 = arith.constant 0 : i32
    %dma_start3A_148 = tpu.memref_slice %dma_start3A_146[%add3A_136, %dma_start3A_147] : memref<128x2048xf32, #tpu.memory_space<hbm>> -> memref<8x2048xf32, #tpu.memory_space<hbm>>
    tpu.enqueue_dma source(%arg10 : memref<8x2048xf32, #tpu.memory_space<vmem>>) target(%dma_start3A_148 : memref<8x2048xf32, #tpu.memory_space<hbm>>) target_semaphore(%arg16 : memref<!tpu.dma_semaphore, #tpu.memory_space<semaphore_mem>>)
    %dma_wait3A_149 = arith.constant 0 : i32
    %dma_wait3A_150 = arith.constant 0 : i32
    %dma_wait3A_151 = tpu.memref_slice %arg5[%select_n3A, %dma_wait3A_149, %dma_wait3A_150] : memref<4x128x2048xf32, #tpu.memory_space<hbm>> -> memref<1x128x2048xf32, #tpu.memory_space<hbm>>
    %dma_wait3A_152 = tpu.memref_squeeze %dma_wait3A_151 : memref<1x128x2048xf32, #tpu.memory_space<hbm>> -> memref<128x2048xf32, #tpu.memory_space<hbm>>
    %dma_wait3A_153 = arith.constant 0 : i32
    %dma_wait3A_154 = tpu.memref_slice %dma_wait3A_152[%add3A_107, %dma_wait3A_153] : memref<128x2048xf32, #tpu.memory_space<hbm>> -> memref<8x2048xf32, #tpu.memory_space<hbm>>
    %dma_wait3A_155 = arith.constant 0 : i32
    %dma_wait3A_156 = arith.constant 0 : i32
    %dma_wait3A_157 = tpu.memref_slice %arg5[%select_n3A, %dma_wait3A_155, %dma_wait3A_156] : memref<4x128x2048xf32, #tpu.memory_space<hbm>> -> memref<1x128x2048xf32, #tpu.memory_space<hbm>>
    %dma_wait3A_158 = tpu.memref_squeeze %dma_wait3A_157 : memref<1x128x2048xf32, #tpu.memory_space<hbm>> -> memref<128x2048xf32, #tpu.memory_space<hbm>>
    %dma_wait3A_159 = arith.constant 0 : i32
    %dma_wait3A_160 = tpu.memref_slice %dma_wait3A_158[%add3A_107, %dma_wait3A_159] : memref<128x2048xf32, #tpu.memory_space<hbm>> -> memref<8x2048xf32, #tpu.memory_space<hbm>>
    tpu.wait_dma2 semaphore(%arg16 : memref<!tpu.dma_semaphore, #tpu.memory_space<semaphore_mem>>) src(%arg9 : memref<8x2048xf32, #tpu.memory_space<vmem>>) dst(%dma_wait3A_160 : memref<8x2048xf32, #tpu.memory_space<hbm>>)
    %dma_wait3A_161 = arith.constant 0 : i32
    %dma_wait3A_162 = arith.constant 0 : i32
    %dma_wait3A_163 = tpu.memref_slice %arg5[%select_n3A, %dma_wait3A_161, %dma_wait3A_162] : memref<4x128x2048xf32, #tpu.memory_space<hbm>> -> memref<1x128x2048xf32, #tpu.memory_space<hbm>>
    %dma_wait3A_164 = tpu.memref_squeeze %dma_wait3A_163 : memref<1x128x2048xf32, #tpu.memory_space<hbm>> -> memref<128x2048xf32, #tpu.memory_space<hbm>>
    %dma_wait3A_165 = arith.constant 0 : i32
    %dma_wait3A_166 = tpu.memref_slice %dma_wait3A_164[%add3A_136, %dma_wait3A_165] : memref<128x2048xf32, #tpu.memory_space<hbm>> -> memref<8x2048xf32, #tpu.memory_space<hbm>>
    %dma_wait3A_167 = arith.constant 0 : i32
    %dma_wait3A_168 = arith.constant 0 : i32
    %dma_wait3A_169 = tpu.memref_slice %arg5[%select_n3A, %dma_wait3A_167, %dma_wait3A_168] : memref<4x128x2048xf32, #tpu.memory_space<hbm>> -> memref<1x128x2048xf32, #tpu.memory_space<hbm>>
    %dma_wait3A_170 = tpu.memref_squeeze %dma_wait3A_169 : memref<1x128x2048xf32, #tpu.memory_space<hbm>> -> memref<128x2048xf32, #tpu.memory_space<hbm>>
    %dma_wait3A_171 = arith.constant 0 : i32
    %dma_wait3A_172 = tpu.memref_slice %dma_wait3A_170[%add3A_136, %dma_wait3A_171] : memref<128x2048xf32, #tpu.memory_space<hbm>> -> memref<8x2048xf32, #tpu.memory_space<hbm>>
    tpu.wait_dma2 semaphore(%arg16 : memref<!tpu.dma_semaphore, #tpu.memory_space<semaphore_mem>>) src(%arg10 : memref<8x2048xf32, #tpu.memory_space<vmem>>) dst(%dma_wait3A_172 : memref<8x2048xf32, #tpu.memory_space<hbm>>)
    return
  }
}

</mosaic_0001>

<sc_bundles>
// kernel: kernel.3.cloned.1.call-start
scs
__scs_entry_jumppad:
0x0: {  	(pc) =	sbr.rel $0x88, $3  }
0x1: {  	(tag) =	ssettag $0x0;
	lr =	simm.s32 $0x1  }
0x2: {  	[smem:$0x3F9E] =	sst lr;
	_ =	strace $0xD0000000  }
0x3: {  	_ = 	snop  }
0x4: {  	_ = 	snop  }
0x5: {  	_ = 	snop  }
0x6: {  	_ = 	snop  }
0x7: {  	_ = 	snop  }
__scs_overlays_trampoline_lowered:
0x8: {  	[smem:$0x3FAD] =	sst s0  }
0x9: {  	[smem:$0x3FAE] =	sst s1  }
0xa: {  	[smem:$0x3FAF] =	sst s2  }
0xb: {  	[smem:$0x3FB0] =	sst s3  }
0xc: {  	[smem:$0x3FB1] =	sst s4  }
0xd: {  	[smem:$0x3FB2] =	sst s5  }
0xe: {  	[smem:$0x3FB3] =	sst s6  }
0xf: {  	[smem:$0x3FB4] =	sst s7  }
0x10: {  	[smem:$0x3FB5] =	sst s8  }
0x11: {  	[smem:$0x3FB6] =	sst s9;
	s0 =	simm.s32 @!p0 $0x0  }
0x12: {  	s1 =	sld [smem:$0x3F9C];
	s0 =	simm.s32 @p0 $0x1  }
0x13: {  	[smem:$0x3FB7] =	sst s0;
	s0 =	simm.s32 @!p1 $0x0  }
0x14: {  	s2 =	sld [smem:$0x3F9B];
	s0 =	simm.s32 @p1 $0x1  }
0x15: {  	[smem:$0x3FB8] =	sst s0;
	s0 =	simm.s32 @!p2 $0x0  }
0x16: {  	s3 =	sld [smem:$0x3FDB];
	s0 =	simm.s32 @p2 $0x1  }
0x17: {  	s4 =	simm.s32 $0x1BF5;
	[smem:$0x3FBA] =	sst s0  }
0x18: {  	s0 =	sld [smem:$0x3F9D];
	_ =	swait.ge [sflag:s4], $0x0  }
0x19: {  	s7 =	sld [smem:$0x3F9E]  }
0x1a: {  	s8 =	sadd.s32 $0xFFFFE003, lr  }
0x1b: {  	s9 =	sadd.s32 $0xFFFFFEF7, lr;
	s5 =	simm.s32 $0xFFFFFFFF;
	p2 =	slt.u32 s8, $0xFFFFF086  }
0x1c: {  	p1 =	slt.u32 s9, $0xF7A;
	s5 =	simm.s32 @!p2 $0x0  }
0x1d: {  	s5 =	simm.s32 @p1 $0x1;
	p0 =	seq.s32 s7, s2  }
0x1e: {  	s7 =	smul.u32 @!p0 $0xF7A, s2;
	p2 =	seq.s32 @!p0 s5, $0x0  }
0x1f: {  	s9 =	smul.u32 $0xF7A, s1;
	s8 =	simm.s32 @!p0 $0x1BF5;
	p2 =	por !p2, p0  }
0x20: {  	[sflag:s8] =	ssyncset.s32 @!p0 $0xFFFFF086;
	s6 =	sadd.s32 @!p0 s3, s7;
	s7 =	simm.s32 @!p0 $0x108  }
0x21: {  	s3 =	sadd.s32 s3, s9;
	s6 =	sadd.s32 @!p0 $0x88, s6;
	s7 =	simm.s32 @p2 $0x1082  }
0x22: {  	[simem:s7], [sflag:s8] =	dma.local @!p0 [hbm:s6], $0xF7A  }
0x23: {  	s9 =	sor.u32 $0xD0000000, s2;
	s6 =	simm.s32 $0x108;
	_ =	swait.ge @!p0 [sflag:s8], $0x0  }
0x24: {  	s3 =	sadd.s32 $0x88, s3;
	s6 =	simm.s32 @!p1 $0x1082;
	[sflag:s4] =	ssyncset.s32 $0xFFFFF086  }
0x25: {  	[simem:s6], [sflag:s4] =	dma.local [hbm:s3], $0xF7A  }
0x26: {  	[smem:$0x3F9E] =	sst s1;
	(tag) =	ssettag s2;
	_ =	strace s9  }
0x27: {  	s1 =	sld [smem:$0x3FAE]  }
0x28: {  	s2 =	sld [smem:$0x3FAF]  }
0x29: {  	s4 =	sld [smem:$0x3FB1]  }
0x2a: {  	p0 =	seq.s32 s5, $0x0;
	s5 =	sld [smem:$0x3FB2]  }
0x2b: {  	s6 =	sld [smem:$0x3FB3]  }
0x2c: {  	s7 =	sld [smem:$0x3FB4]  }
0x2d: {  	s3 =	simm.s32 $0x108;
	s8 =	sld [smem:$0x3FB5]  }
0x2e: {  	s3 =	simm.s32 @!p0 $0x1082;
	s9 =	sld [smem:$0x3FB6]  }
0x2f: {  	lr =	sadd.s32 s0, s3;
	s0 =	sld [smem:$0x3FAD]  }
0x30: {  	s3 =	sld [smem:$0x3FB0]  }
0x31: {  	[smem:$0x3FB9] =	sst s10  }
0x32: {  	s10 =	sld [smem:$0x3FB7];
	_ =	sdelay $0x3  }
0x33: {  	p0 =	seq.s32 s10, $0x1;
	s10 =	sld [smem:$0x3FB9];
	_ =	sdelay $0x3  }
0x34: {  	[smem:$0x3FB9] =	sst s10  }
0x35: {  	s10 =	sld [smem:$0x3FB8];
	_ =	sdelay $0x3  }
0x36: {  	p1 =	seq.s32 s10, $0x1;
	s10 =	sld [smem:$0x3FB9];
	_ =	sdelay $0x3  }
0x37: {  	[smem:$0x3FB9] =	sst s10  }
0x38: {  	s10 =	sld [smem:$0x3FBA]  }
0x39: {  	_ = 	snop;
	(pc) =	sbr.ind lr, $3  }
0x3a: {  	_ = 	snop  }
0x3b: {  	_ = 	snop  }
0x3c: {  	p2 =	seq.s32 s10, $0x1;
	s10 =	sld [smem:$0x3FB9]  }
0x3d: {  	_ =	shalt  }
0x3e: {  	_ =	shalt  }
0x3f: {  	_ =	shalt  }
0x40: {  	_ =	shalt  }
0x41: {  	_ =	shalt  }
0x42: {  	_ =	shalt  }
0x43: {  	_ =	shalt  }
0x44: {  	_ =	shalt  }
0x45: {  	_ =	shalt  }
0x46: {  	_ =	shalt  }
0x47: {  	_ =	shalt  }
0x48: {  	_ =	shalt  }
0x49: {  	_ =	shalt  }
0x4a: {  	_ =	shalt  }
0x4b: {  	_ =	shalt  }
0x4c: {  	_ =	shalt  }
0x4d: {  	_ =	shalt  }
0x4e: {  	_ =	shalt  }
0x4f: {  	_ =	shalt  }
0x50: {  	_ =	shalt  }
0x51: {  	_ =	shalt  }
0x52: {  	_ =	shalt  }
0x53: {  	_ =	shalt  }
0x54: {  	_ =	shalt  }
0x55: {  	_ =	shalt  }
0x56: {  	_ =	shalt  }
0x57: {  	_ =	shalt  }
0x58: {  	_ =	shalt  }
0x59: {  	_ =	shalt  }
0x5a: {  	_ =	shalt  }
0x5b: {  	_ =	shalt  }
0x5c: {  	_ =	shalt  }
0x5d: {  	_ =	shalt  }
0x5e: {  	_ =	shalt  }
0x5f: {  	_ =	shalt  }
0x60: {  	_ =	shalt  }
0x61: {  	_ =	shalt  }
0x62: {  	_ =	shalt  }
0x63: {  	_ =	shalt  }
0x64: {  	_ =	shalt  }
0x65: {  	_ =	shalt  }
0x66: {  	_ =	shalt  }
0x67: {  	_ =	shalt  }
0x68: {  	_ =	shalt  }
0x69: {  	_ =	shalt  }
0x6a: {  	_ =	shalt  }
0x6b: {  	_ =	shalt  }
0x6c: {  	_ =	shalt  }
0x6d: {  	_ =	shalt  }
0x6e: {  	_ =	shalt  }
0x6f: {  	_ =	shalt  }
0x70: {  	_ =	shalt  }
0x71: {  	_ =	shalt  }
0x72: {  	_ =	shalt  }
0x73: {  	_ =	shalt  }
0x74: {  	_ =	shalt  }
0x75: {  	_ =	shalt  }
0x76: {  	_ =	shalt  }
0x77: {  	_ =	shalt  }
0x78: {  	_ =	shalt  }
0x79: {  	_ =	shalt  }
0x7a: {  	_ =	shalt  }
0x7b: {  	_ =	shalt  }
0x7c: {  	_ =	shalt  }
0x7d: {  	_ =	shalt  }
0x7e: {  	_ =	shalt  }
0x7f: {  	_ =	shalt  }
0x80: {  	_ =	shalt  }
0x81: {  	_ =	shalt  }
0x82: {  	_ =	shalt  }
0x83: {  	_ =	shalt  }
0x84: {  	_ =	shalt  }
0x85: {  	_ =	shalt  }
0x86: {  	_ =	shalt  }
0x87: {  	_ =	shalt  }
.Lfunc_end0:
.L_simem_size_0:
called_computation_lowered:
.L_overlay_start_0:
0x88: {  	s2 =	sld [smem:$0x3FD9]  }
0x89: {  	s3 =	sld [smem:$0x3FFE];
	_ =	sdelay $0x1  }
0x8a: {  	s1 =	srdreg.scid  }
0x8b: {  	s0 =	sand.u32 $0x1, s1  }
0x8c: {  	s14 =	sshll.u32 s0, $0xA;
	s2 =	sadd.s32 s3, s2  }
0x8d: {  	s2 =	sadd.s32 s2, s14  }
0x8e: {  	[smem:$0x3FC5] =	sst s2  }
0x8f: {  	_ = 	snop  }
0x90: {  	s2 =	sld [smem:$0x3FD0];
	_ =	sdelay $0x1  }
0x91: {  	s15 =	sld [smem:$0x3FC9]  }
0x92: {  	s5 =	simm.s32 $0xA;
	s6 =	simm.s32 $0x10;
	s4 =	sld [smem:$0x3FC8]  }
0x93: {  	[smem:s6], [sflag:s5] =	dma.local [hbm:s2], $0x1  }
0x94: {  	_ =	swait.eq [sflag:s5], $0x1  }
0x95: {  	[sflag:s5] =	ssyncset.done $0x0  }
0x96: {  	[sflag:s5] =	ssyncadd.s32 $0xFFFFFFFF  }
0x97: {  	s16 =	sld [smem:$0x10];
	(tm) =	ssettm $0x1  }
0x98: {  	s17 =	sld [smem:$0x3FFB];
	_ =	sdelay $0x3  }
0x99: {  	_ =	strace s17  }
0x9a: {  	s5 =	sld [smem:$0x3FFC];
	_ =	sdelay $0x3  }
0x9b: {  	_ =	strace s5  }
0x9c: {  	s5 =	sld [smem:$0x3FFD];
	_ =	sdelay $0x3  }
0x9d: {  	_ =	strace s5  }
0x9e: {  	_ =	strace $0x8FFFFFFF  }
0x9f: {  	s18 =	sld [smem:$0x3FDB];
	_ =	sdelay $0x1  }
0xa0: {  	s19 =	simm.s32 $_scs_section_size  }
0xa1: {  	s7 =	simm.s32 $_size__tile_overlayer_lowered;
	s8 =	simm.s32 $_tile_overlayer_lowered  }
0xa2: {  	s22 =	simm.s32 $0x1BFF;
	s21 =	sshll.u32 s8, $0x1;
	s5 =	sadd.s32 s19, s18  }
0xa3: {  	s9 =	simm.s32 $0x0;
	s20 =	sshll.u32 s7, $0x1;
	s7 =	sadd.s32 s21, s5  }
0xa4: {  	[timem:s9], [sflag:s22] =	dma.local [hbm:s7], s20  }
0xa5: {  	_ =	swait.ge [sflag:s22], s20  }
0xa6: {  	s6 =	ssub.s32 $0x0, s20;
	[sflag:s22] =	ssyncset.done $0x0  }
0xa7: {  	[sflag:s22] =	ssyncadd.s32 s6;
	_ =	sdelay $0x1  }
0xa8: {  	s23 =	simm.s32 $0x1B8B  }
0xa9: {  	_ =	swait.ge [sflag:s23], $0x1  }
0xaa: {  	[sflag:s23] =	ssyncset.done $0x0  }
0xab: {  	s25 =	simm.s32 $0x1B8E;
	s24 =	sld [smem:$0x3FFE];
	[sflag:s23] =	ssyncadd.s32 $0xFFFFFFFF  }
0xac: {  	s26 =	simm.s32 $execute0_lowered;
	[smem:$0x3FD2] =	sst s25  }
0xad: {  	s7 =	sshll.u32 s26, $0x1;
	_ =	strace $0x80000046;
	[dreg:$0x1] =	wrdreg $0xFFFFFFFF  }
0xae: {  	s28 =	simm.s32 $_size_execute0_lowered;
	s5 =	sadd.s32 s5, s7;
	[dreg:$0x0] =	wrdreg $0x0  }
0xaf: {  	s7 =	sshll.u32 s28, $0x1;
	[dreg:$0x2] =	wrdreg s5  }
0xb0: {  	[dreg:$0x3] =	wrdreg s7  }
0xb1: {  	[dreg:$0x4] =	wrdreg $0xC0  }
0xb2: {  	_ =	task [dreg:s9], $0x5FFFF  }
0xb3: {  	[dreg:$0x1] =	wrdreg $0xFFFFFFFF  }
0xb4: {  	[dreg:$0x0] =	wrdreg $0x60  }
0xb5: {  	[dreg:$0x2] =	wrdreg s15  }
0xb6: {  	[dreg:$0x3] =	wrdreg s4  }
0xb7: {  	[dreg:$0x4] =	wrdreg s24  }
0xb8: {  	[dreg:$0x5] =	wrdreg s16  }
0xb9: {  	[dreg:$0x6] =	wrdreg $0x9  }
0xba: {  	_ =	task.clear_ibuf [dreg:s9], $0x7FFFF;
	_ =	strace $0x90000046  }
0xbb: {  	s29 =	simm.s32 $0x9;
	_ =	strace $0x80000048  }
0xbc: {  	_ =	swait.ge [sflag:s29], $0x1  }
0xbd: {  	[sflag:s29] =	ssyncadd.s32 $0xFFFFFFFF  }
0xbe: {  	_ =	strace $0x90000048  }
0xbf: {  	_ =	sfence  }
0xc0: {  	s30 =	sld [smem:$0x0];
	_ =	sdelay $0x2  }
0xc1: {  	s31 =	sshll.u32 s1, $0xD;
	s1 =	sshrl.u32 s1, $0x2  }
0xc2: {  	s3 =	sand.u32 $0x4000, s31;
	s1 =	sadd.s32 s1, s30  }
0xc3: {  	s0 =	sor.u32 s3, s0;
	s1 =	sshll.u32 s1, $0x11  }
0xc4: {  	s0 =	sor.u32 s1, s0  }
0xc5: {  	s0 =	sadd.s32 $0x8F2B, s0  }
0xc6: {  	[sflag:s0] =	ssyncadd.remote.s32 $0x1  }
0xc7: {  	_ =	sfence.sel $0xFFFF  }
0xc8: {  	[dreg:$0x0] =	wrdreg $0xFFFFFFFF;
	(pc) =	sbr.abs _section_cstart, $3  }
0xc9: {  	[dreg:$0x1] =	wrdreg $0xFFFFFFFF  }
0xca: {  	_ =	task.clear_ibuf [dreg:s9], $0x2FFFF;
	_ =	strace $0x9FFFFFFF  }
0xcb: {  	(tm) =	ssettm $0x7FFFFFFF  }
tec
execute0_lowered:
.L_overlay_start_1:
0x0: {  	(tag) =	ssettag $0x1  }
0x1: {  	s0 =	rddreg [dreg:$0x0]  }
0x2: {  	s1 =	rddreg [dreg:$0x1];
	s2 =	srdreg.scid  }
0x3: {  	s3 =	rddreg [dreg:$0x2];
	s9 =	stileid.u32  }
0x4: {  	s5 =	rddreg [dreg:$0x3];
	s28 =	simm.s32 $0x0;
	s4 =	sand.u32 $0x1, s2  }
0x5: {  	s6 =	sshll.u32 s9, $0x5;
	s2 =	simm.s32 $0x0;
	s20 =	sshrl.u32 s9, $0x2  }
0x6: {  	s9 =	simm.s32 $0x180;
	s7 =	sshll.u32 s4, $0x4;
	[smem:$0x7FF] =	sst s2  }
0x7: {  	s4 =	ssub.s32 $0x2, s4;
	s23 =	sshll.u32 s20, $0x14;
	s24 =	sshll.u32 s20, $0xF  }
0x8: {  	s20 =	simm.s32 $0x3;
	s6 =	sor.u32 s7, s6;
	_ =	strace $0x80000047  }
0x9: {  	s8 =	sshrl.u32 s4, $0x1;
	s18 =	sadd.s32 s5, s24;
	s7 =	sshrl.u32 s6, $0x3  }
0xa: {  	s4 =	ssub.s32 s4, s8;
	s22 =	sshll.u32 s6, $0x8;
	s6 =	simm.s32 $0x4180  }
0xb: {  	[dreg:$0x5] =	wrdreg s18;
	s3 =	sadd.s32 s7, s3;
	s19 =	sadd.s32 s1, s7  }
0xc: {  	s16 =	sand.u32 $0x7000, s22;
	s7 =	sadd.s32 s0, s23;
	s23 =	smax.u32 s4, $0x1  }
0xd: {  	s21 =	sadd.s32 $0x1, s19;
	s26 =	sadd.s32 $0x100, s7;
	[dreg:$0x6] =	wrdreg s23  }
.Ltmp0:
0xe: {  	s29 =	sadd.s32 $0x200, s7;
	[dreg:$0x7] =	wrdreg s26;
	(pc) =	sbr.rel .LBB2_1-.Ltmp0, $4  }
0xf: {  	s14 =	sadd.s32 $0x600, s3;
	s30 =	sadd.s32 $0x300, s7;
	[dreg:$0x8] =	wrdreg s29  }
0x10: {  	v0 =	vlaneseq.u32;
	s25 =	sor.u32 $0x800, s16;
	s31 =	sadd.s32 $0x400, s7;
	[dreg:$0x9] =	wrdreg s30  }
0x11: {  	v1 =	vshrl.u32 v0, $0x3;
	s22 =	sadd.s32 $0x500, s7;
	[dreg:$0xb] =	wrdreg s31;
	s0 =	sadd.s32 s18, s25  }
0x12: {  	vm0 =	vmmov $0xffff;
	v0 =	vand.u32 $0x7, v0;
	v1 =	vmul.u32 $0x8, v1;
	s24 =	sadd.s32 $0x600, s7;
	s26 =	simm.s32 $0x6;
	[dreg:$0xa] =	wrdreg s0  }
.LBB2_37:
0x13: {  	s0 =	rddreg [dreg:$0xa];
	s6 =	simm.s32 $0x4180;
	s28 =	sadd.s32 $0x1, s28  }
0x14: {  	[hbm4b:s0+s2] =	stream.linear.scatter [tilespmem:s6], [sflag:$0x6], $0x4000, $0x38;
	[tilespmem:$0x8180] =	vst v63  }
0x15: {  	p0 =	sne.s32 s28, s23;
	_ =	swait.ge [sflag:s26], $0x4000  }
.Ltmp1:
0x16: {  	[sflag:s26] =	ssyncset.done $0x0;
	(pc) =	sbr.rel @!p0 .LBB2_38-.Ltmp1, $4  }
0x17: {  	[sflag:s26] =	ssyncadd.s32 $0xFFFFC000  }
0x18: {  	_ =	swait.ge [sflag:s26], $0x4000  }
0x19: {  	[sflag:s26] =	ssyncset.done $0x0  }
0x1a: {  	[sflag:s26] =	ssyncadd.s32 $0xFFFFC000  }
.LBB2_1:
0x1b: {  	s0 =	simm.s32 $0x80  }
0x1c: {  	[tilespmem:s0], [sflag:$0x1] =	stream.linear.gather [hbm4b:s19+s2], $0x8, $0x38;
	[tilespmem:$0x8180] =	vst v63  }
0x1d: {  	s3 =	simm.s32 $0x100  }
0x1e: {  	[tilespmem:s3], [sflag:$0x2] =	stream.linear.gather [hbm4b:s21+s2], $0x8, $0x38;
	[tilespmem:$0x8180] =	vst v63  }
0x1f: {  	s4 =	simm.s32 $0x1  }
0x20: {  	[tilespmem:s2], [sflag:$0x5] =	stream.linear.gather [hbm4b:s14+s2], $0x10, $0x38;
	[tilespmem:$0x8180] =	vst v63  }
0x21: {  	_ =	swait.ge [sflag:s4], $0x8  }
0x22: {  	[sflag:s4] =	ssyncset.done $0x0  }
0x23: {  	[sflag:s4] =	ssyncadd.s32 $0xFFFFFFF8  }
0x24: {  	v2 =	vld.msk [tilespmem:$0x80], $0xff;
	_ =	sdelay $0x4  }
0x25: {  	v3 =	vshll.u32 v2, $0x4  }
0x26: {  	v2 =	vand.u32 $0x7, v2;
	v3 =	vand.u32 $0xFFFFFF80, v3  }
0x27: {  	v2 =	vor.u32 v2, v3  }
0x28: {  	v2 =	vperm.xlane v2, v0;
	_ =	sdelay $0x1  }
0x29: {  	v2 =	vadd.s32 v1, v2;
	_ =	sdelay $0x4  }
0x2a: {  	[tilespmem:s9], [sflag:$0x3] =	stream.indirect_vreg.gather [hbm4b:s7+s2], $0x80, v2, vm0, $0xb8;
	[tilespmem:$0x8180] =	vst v63  }
0x2b: {  	s5 =	simm.s32 $0x980;
	s1 =	rddreg [dreg:$0x7]  }
0x2c: {  	[tilespmem:s5], [sflag:$0x3] =	stream.indirect_vreg.gather [hbm4b:s1+s2], $0x80, v2, vm0, $0xb8;
	[tilespmem:$0x8180] =	vst v63  }
0x2d: {  	s8 =	simm.s32 $0x1180;
	s3 =	rddreg [dreg:$0x8]  }
0x2e: {  	[tilespmem:s8], [sflag:$0x3] =	stream.indirect_vreg.gather [hbm4b:s3+s2], $0x80, v2, vm0, $0xb8;
	[tilespmem:$0x8180] =	vst v63  }
0x2f: {  	s4 =	rddreg [dreg:$0x9];
	s9 =	simm.s32 $0x1980  }
0x30: {  	[tilespmem:s9], [sflag:$0x3] =	stream.indirect_vreg.gather [hbm4b:s4+s2], $0x80, v2, vm0, $0xb8;
	[tilespmem:$0x8180] =	vst v63  }
0x31: {  	s10 =	simm.s32 $0x2180;
	s8 =	rddreg [dreg:$0xb]  }
0x32: {  	[tilespmem:s10], [sflag:$0x3] =	stream.indirect_vreg.gather [hbm4b:s8+s2], $0x80, v2, vm0, $0xb8;
	[tilespmem:$0x8180] =	vst v63  }
0x33: {  	s11 =	simm.s32 $0x2980  }
0x34: {  	[tilespmem:s11], [sflag:$0x3] =	stream.indirect_vreg.gather [hbm4b:s22+s2], $0x80, v2, vm0, $0xb8;
	[tilespmem:$0x8180] =	vst v63  }
0x35: {  	s12 =	simm.s32 $0x3180  }
0x36: {  	[tilespmem:s12], [sflag:$0x3] =	stream.indirect_vreg.gather [hbm4b:s24+s2], $0x80, v2, vm0, $0xb8;
	[tilespmem:$0x8180] =	vst v63  }
0x37: {  	s13 =	sadd.s32 $0x700, s7;
	s15 =	simm.s32 $0x2;
	s5 =	simm.s32 $0x3980  }
0x38: {  	[tilespmem:s5], [sflag:$0x3] =	stream.indirect_vreg.gather [hbm4b:s13+s2], $0x80, v2, vm0, $0xb8;
	[tilespmem:$0x8180] =	vst v63  }
0x39: {  	_ =	swait.ge [sflag:s15], $0x8  }
0x3a: {  	[sflag:s15] =	ssyncset.done $0x0  }
0x3b: {  	[sflag:s15] =	ssyncadd.s32 $0xFFFFFFF8  }
0x3c: {  	v2 =	vld.msk [tilespmem:$0x100], $0xff;
	_ =	sdelay $0x4  }
0x3d: {  	v3 =	vshll.u32 v2, $0x4  }
0x3e: {  	v2 =	vand.u32 $0x7, v2;
	v3 =	vand.u32 $0xFFFFFF80, v3  }
0x3f: {  	v2 =	vor.u32 v2, v3  }
0x40: {  	v2 =	vperm.xlane v2, v0;
	_ =	sdelay $0x1  }
0x41: {  	v2 =	vadd.s32 v1, v2;
	_ =	sdelay $0x4  }
0x42: {  	[tilespmem:s6], [sflag:$0x4] =	stream.indirect_vreg.gather [hbm4b:s7+s2], $0x80, v2, vm0, $0xb8;
	[tilespmem:$0x8180] =	vst v63  }
0x43: {  	s17 =	simm.s32 $0x4980  }
0x44: {  	[tilespmem:s17], [sflag:$0x4] =	stream.indirect_vreg.gather [hbm4b:s1+s2], $0x80, v2, vm0, $0xb8;
	[tilespmem:$0x8180] =	vst v63  }
0x45: {  	s25 =	simm.s32 $0x5180  }
0x46: {  	[tilespmem:s25], [sflag:$0x4] =	stream.indirect_vreg.gather [hbm4b:s3+s2], $0x80, v2, vm0, $0xb8;
	[tilespmem:$0x8180] =	vst v63  }
0x47: {  	s3 =	simm.s32 $0x5980  }
0x48: {  	[tilespmem:s3], [sflag:$0x4] =	stream.indirect_vreg.gather [hbm4b:s4+s2], $0x80, v2, vm0, $0xb8;
	[tilespmem:$0x8180] =	vst v63  }
0x49: {  	s5 =	simm.s32 $0x6180  }
0x4a: {  	[tilespmem:s5], [sflag:$0x4] =	stream.indirect_vreg.gather [hbm4b:s8+s2], $0x80, v2, vm0, $0xb8;
	[tilespmem:$0x8180] =	vst v63  }
0x4b: {  	s6 =	simm.s32 $0x6980  }
0x4c: {  	[tilespmem:s6], [sflag:$0x4] =	stream.indirect_vreg.gather [hbm4b:s22+s2], $0x80, v2, vm0, $0xb8;
	[tilespmem:$0x8180] =	vst v63  }
0x4d: {  	s8 =	simm.s32 $0x7180  }
0x4e: {  	[tilespmem:s8], [sflag:$0x4] =	stream.indirect_vreg.gather [hbm4b:s24+s2], $0x80, v2, vm0, $0xb8;
	[tilespmem:$0x8180] =	vst v63  }
0x4f: {  	s9 =	simm.s32 $0x7980;
	s10 =	simm.s32 $0x5  }
0x50: {  	[tilespmem:s9], [sflag:$0x4] =	stream.indirect_vreg.gather [hbm4b:s13+s2], $0x80, v2, vm0, $0xb8;
	[tilespmem:$0x8180] =	vst v63  }
0x51: {  	_ =	swait.ge [sflag:s10], $0x10  }
0x52: {  	[sflag:s10] =	ssyncset.done $0x0  }
0x53: {  	[sflag:s10] =	ssyncadd.s32 $0xFFFFFFF0  }
0x54: {  	v2 =	vld [tilespmem:$0x0];
	_ =	sdelay $0x4  }
0x55: {  	(v2sf) =	vpush v2, $0x0  }
0x56: {  	(v2sf) =	vpush v2, $0x1  }
0x57: {  	(v2sf) =	vpush v2, $0x2  }
0x58: {  	(v2sf) =	vpush v2, $0x3  }
0x59: {  	(v2sf) =	vpush v2, $0x4  }
0x5a: {  	(v2sf) =	vpush v2, $0x5  }
0x5b: {  	(v2sf) =	vpush v2, $0x6  }
0x5c: {  	(v2sf) =	vpush v2, $0x7  }
0x5d: {  	(v2sf) =	vpush v2, $0x8  }
0x5e: {  	(v2sf) =	vpush v2, $0x9  }
0x5f: {  	(v2sf) =	vpush v2, $0xA  }
0x60: {  	(v2sf) =	vpush v2, $0xB  }
0x61: {  	(v2sf) =	vpush v2, $0xC  }
0x62: {  	(v2sf) =	vpush v2, $0xD  }
0x63: {  	(v2sf) =	vpush v2, $0xE  }
0x64: {  	s8 =	spop (v2sf);
	(v2sf) =	vpush v2, $0xF  }
0x65: {  	s6 =	spop (v2sf)  }
0x66: {  	s25 =	spop (v2sf);
	s11 =	sand.u32 s6, s8  }
0x67: {  	s3 =	spop (v2sf);
	s0 =	sand.u32 s25, s11  }
0x68: {  	s30 =	spop (v2sf);
	s0 =	sand.u32 s3, s0  }
0x69: {  	s9 =	spop (v2sf);
	s0 =	sand.u32 s30, s0  }
0x6a: {  	s5 =	spop (v2sf);
	s0 =	sand.u32 s9, s0  }
0x6b: {  	s13 =	spop (v2sf);
	s0 =	sand.u32 s5, s0  }
0x6c: {  	s4 =	spop (v2sf);
	s0 =	sand.u32 s13, s0  }
0x6d: {  	s17 =	spop (v2sf);
	s0 =	sand.u32 s4, s0  }
0x6e: {  	s15 =	spop (v2sf);
	s0 =	sand.u32 s17, s0  }
0x6f: {  	s11 =	spop (v2sf);
	s0 =	sand.u32 s15, s0  }
0x70: {  	s10 =	spop (v2sf);
	s12 =	sand.u32 s11, s0  }
0x71: {  	s0 =	spop (v2sf);
	s12 =	sand.u32 s10, s12  }
0x72: {  	s1 =	spop (v2sf);
	s12 =	sand.u32 s0, s12  }
0x73: {  	s12 =	sand.u32 s1, s12;
	s31 =	spop (v2sf)  }
0x74: {  	s12 =	sand.u32 s31, s12  }
0x75: {  	p0 =	sne.s32 s12, $0x0  }
.Ltmp2:
0x76: {  	_ = 	snop;
	(pc) =	sbr.rel @p0 .LBB2_19-.Ltmp2, $4  }
0x77: {  	_ = 	snop  }
0x78: {  	_ =	swait.ge [sflag:s20], $0x4000  }
0x79: {  	[sflag:s20] =	ssyncset.done $0x0  }
0x7a: {  	s29 =	simm.s32 $0x180;
	[sflag:s20] =	ssyncadd.s32 $0xFFFFC000  }
0x7b: {  	s18 =	smov.u32 s16;
	s16 =	smov.u32 s14;
	s12 =	simm.s32 $0x0  }
0x7c: {  	s14 =	smov.u32 s21;
	s21 =	sand.u32 $0x70, s12;
	s12 =	sand.u32 $0x3C00, s12  }
0x7d: {  	s12 =	sor.u32 s21, s12  }
0x7e: {  	v3 =	vld [tilespmem:s12+$0x180];
	_ =	sdelay $0x1  }
0x7f: {  	s8 =	scvt.s32.f32 s8;
	_ =	sdelay $0x1  }
0x80: {  	v2 =	vmov s8  }
0x81: {  	s23 =	smov.u32 s19;
	s21 =	simm.s32 $0x10;
	s8 =	simm.s32 $0x80;
	v3 =	vmul.f32 v3, v2  }
0x82: {  	s29 =	simm.s32 $0x20;
	s19 =	sand.u32 $0x70, s21;
	s21 =	sand.u32 $0x3C00, s8  }
.LBB2_3:
0x83: {  	p1 =	sne.s32 s29, $0x7F0;
	[tilespmem:s12+$0x180] =	vst v3;
	s12 =	sor.u32 s19, s21  }
0x84: {  	v3 =	vld [tilespmem:s12+$0x180];
	_ =	sdelay $0x1  }
.Ltmp3:
0x85: {  	(pc) =	sbr.rel @p1 .LBB2_3-.Ltmp3, $3  }
0x86: {  	_ =	sdelay $0x1  }
0x87: {  	s8 =	sadd.s32 $0x80, s8;
	v3 =	vmul.f32 v3, v2  }
0x88: {  	s19 =	sand.u32 $0x70, s29;
	s29 =	sadd.s32 $0x10, s29;
	s21 =	sand.u32 $0x3C00, s8  }
0x89: {  	s8 =	sor.u32 s19, s21;
	[tilespmem:s12+$0x180] =	vst v3  }
0x8a: {  	v3 =	vld [tilespmem:s8+$0x180];
	_ =	sdelay $0x4  }
0x8b: {  	s19 =	simm.s32 $0x0;
	v2 =	vmul.f32 v3, v2  }
0x8c: {  	s21 =	sand.u32 $0x70, s19;
	s12 =	sand.u32 $0x3C00, s19  }
0x8d: {  	[tilespmem:s8+$0x180] =	vst v2;
	s8 =	sor.u32 s21, s12  }
0x8e: {  	v3 =	vld [tilespmem:s8+$0x200];
	_ =	sdelay $0x1  }
0x8f: {  	s6 =	scvt.s32.f32 s6;
	_ =	sdelay $0x1  }
0x90: {  	v2 =	vmov s6  }
0x91: {  	s29 =	simm.s32 $0x10;
	s6 =	simm.s32 $0x80;
	v3 =	vmul.f32 v3, v2  }
0x92: {  	s19 =	sand.u32 $0x70, s29;
	s12 =	simm.s32 $0x20;
	s21 =	sand.u32 $0x3C00, s6  }
.LBB2_5:
0x93: {  	p1 =	sne.s32 s12, $0x7F0;
	[tilespmem:s8+$0x200] =	vst v3;
	s8 =	sor.u32 s19, s21  }
0x94: {  	v3 =	vld [tilespmem:s8+$0x200];
	_ =	sdelay $0x1  }
.Ltmp4:
0x95: {  	(pc) =	sbr.rel @p1 .LBB2_5-.Ltmp4, $3  }
0x96: {  	_ =	sdelay $0x1  }
0x97: {  	s6 =	sadd.s32 $0x80, s6;
	v3 =	vmul.f32 v3, v2  }
0x98: {  	s19 =	sand.u32 $0x70, s12;
	s12 =	sadd.s32 $0x10, s12;
	s21 =	sand.u32 $0x3C00, s6  }
0x99: {  	s6 =	sor.u32 s19, s21;
	[tilespmem:s8+$0x200] =	vst v3  }
0x9a: {  	v3 =	vld [tilespmem:s6+$0x200];
	_ =	sdelay $0x4  }
0x9b: {  	s21 =	simm.s32 $0x0;
	v2 =	vmul.f32 v3, v2  }
0x9c: {  	s12 =	sand.u32 $0x70, s21;
	s8 =	sand.u32 $0x3C00, s21  }
0x9d: {  	[tilespmem:s6+$0x200] =	vst v2;
	s6 =	sor.u32 s12, s8  }
0x9e: {  	v3 =	vld [tilespmem:s6+$0x280];
	_ =	sdelay $0x1  }
0x9f: {  	s25 =	scvt.s32.f32 s25;
	_ =	sdelay $0x1  }
0xa0: {  	v2 =	vmov s25  }
0xa1: {  	s29 =	simm.s32 $0x10;
	s8 =	simm.s32 $0x80;
	v3 =	vmul.f32 v3, v2  }
0xa2: {  	s19 =	sand.u32 $0x70, s29;
	s12 =	simm.s32 $0x20;
	s21 =	sand.u32 $0x3C00, s8  }
.LBB2_7:
0xa3: {  	p1 =	sne.s32 s12, $0x7F0;
	[tilespmem:s6+$0x280] =	vst v3;
	s6 =	sor.u32 s19, s21  }
0xa4: {  	v3 =	vld [tilespmem:s6+$0x280];
	_ =	sdelay $0x1  }
.Ltmp5:
0xa5: {  	(pc) =	sbr.rel @p1 .LBB2_7-.Ltmp5, $3  }
0xa6: {  	_ =	sdelay $0x1  }
0xa7: {  	s8 =	sadd.s32 $0x80, s8;
	v3 =	vmul.f32 v3, v2  }
0xa8: {  	s19 =	sand.u32 $0x70, s12;
	s12 =	sadd.s32 $0x10, s12;
	s21 =	sand.u32 $0x3C00, s8  }
0xa9: {  	s8 =	sor.u32 s19, s21;
	[tilespmem:s6+$0x280] =	vst v3  }
0xaa: {  	v3 =	vld [tilespmem:s8+$0x280];
	_ =	sdelay $0x4  }
0xab: {  	s25 =	simm.s32 $0x0;
	v2 =	vmul.f32 v3, v2  }
0xac: {  	s12 =	sand.u32 $0x70, s25;
	s6 =	sand.u32 $0x3C00, s25  }
0xad: {  	s6 =	sor.u32 s12, s6;
	[tilespmem:s8+$0x280] =	vst v2  }
0xae: {  	v3 =	vld [tilespmem:s6+$0x300];
	_ =	sdelay $0x1  }
0xaf: {  	s3 =	scvt.s32.f32 s3;
	_ =	sdelay $0x1  }
0xb0: {  	v2 =	vmov s3  }
0xb1: {  	s29 =	simm.s32 $0x10;
	s3 =	simm.s32 $0x80;
	v3 =	vmul.f32 v3, v2  }
0xb2: {  	s12 =	sand.u32 $0x70, s29;
	s8 =	simm.s32 $0x20;
	s19 =	sand.u32 $0x3C00, s3  }
.LBB2_9:
0xb3: {  	p1 =	sne.s32 s8, $0x7F0;
	[tilespmem:s6+$0x300] =	vst v3;
	s6 =	sor.u32 s12, s19  }
0xb4: {  	v3 =	vld [tilespmem:s6+$0x300];
	_ =	sdelay $0x1  }
.Ltmp6:
0xb5: {  	(pc) =	sbr.rel @p1 .LBB2_9-.Ltmp6, $3  }
0xb6: {  	_ =	sdelay $0x1  }
0xb7: {  	s3 =	sadd.s32 $0x80, s3;
	v3 =	vmul.f32 v3, v2  }
0xb8: {  	s12 =	sand.u32 $0x70, s8;
	s8 =	sadd.s32 $0x10, s8;
	s19 =	sand.u32 $0x3C00, s3  }
0xb9: {  	s3 =	sor.u32 s12, s19;
	[tilespmem:s6+$0x300] =	vst v3  }
0xba: {  	v3 =	vld [tilespmem:s3+$0x300];
	_ =	sdelay $0x4  }
0xbb: {  	s25 =	simm.s32 $0x0;
	v2 =	vmul.f32 v3, v2  }
0xbc: {  	s8 =	sand.u32 $0x70, s25;
	s6 =	sand.u32 $0x3C00, s25  }
0xbd: {  	[tilespmem:s3+$0x300] =	vst v2;
	s3 =	sor.u32 s8, s6  }
0xbe: {  	v3 =	vld [tilespmem:s3+$0x380];
	_ =	sdelay $0x1  }
0xbf: {  	s29 =	scvt.s32.f32 s30;
	_ =	sdelay $0x1  }
0xc0: {  	v2 =	vmov s29  }
0xc1: {  	s30 =	simm.s32 $0x10;
	s21 =	smov.u32 s14;
	s6 =	simm.s32 $0x80;
	v3 =	vmul.f32 v3, v2  }
0xc2: {  	s12 =	sand.u32 $0x70, s30;
	s8 =	simm.s32 $0x20;
	s19 =	sand.u32 $0x3C00, s6  }
.LBB2_11:
0xc3: {  	p1 =	sne.s32 s8, $0x7F0;
	[tilespmem:s3+$0x380] =	vst v3;
	s3 =	sor.u32 s12, s19  }
0xc4: {  	v3 =	vld [tilespmem:s3+$0x380];
	_ =	sdelay $0x1  }
.Ltmp7:
0xc5: {  	(pc) =	sbr.rel @p1 .LBB2_11-.Ltmp7, $3  }
0xc6: {  	_ =	sdelay $0x1  }
0xc7: {  	s6 =	sadd.s32 $0x80, s6;
	v3 =	vmul.f32 v3, v2  }
0xc8: {  	s12 =	sand.u32 $0x70, s8;
	s8 =	sadd.s32 $0x10, s8;
	s19 =	sand.u32 $0x3C00, s6  }
0xc9: {  	s6 =	sor.u32 s12, s19;
	[tilespmem:s3+$0x380] =	vst v3  }
0xca: {  	v3 =	vld [tilespmem:s6+$0x380];
	_ =	sdelay $0x4  }
0xcb: {  	s25 =	simm.s32 $0x0;
	v2 =	vmul.f32 v3, v2  }
0xcc: {  	s8 =	sand.u32 $0x70, s25;
	s3 =	sand.u32 $0x3C00, s25  }
0xcd: {  	s3 =	sor.u32 s8, s3;
	[tilespmem:s6+$0x380] =	vst v2  }
0xce: {  	v3 =	vld [tilespmem:s3+$0x400];
	_ =	sdelay $0x1  }
0xcf: {  	s29 =	scvt.s32.f32 s9;
	_ =	sdelay $0x1  }
0xd0: {  	v2 =	vmov s29  }
0xd1: {  	s30 =	simm.s32 $0x10;
	s14 =	smov.u32 s16;
	s6 =	simm.s32 $0x80;
	v3 =	vmul.f32 v3, v2  }
0xd2: {  	s9 =	sand.u32 $0x70, s30;
	s8 =	simm.s32 $0x20;
	s12 =	sand.u32 $0x3C00, s6  }
.LBB2_13:
0xd3: {  	p1 =	sne.s32 s8, $0x7F0;
	[tilespmem:s3+$0x400] =	vst v3;
	s3 =	sor.u32 s9, s12  }
0xd4: {  	v3 =	vld [tilespmem:s3+$0x400];
	_ =	sdelay $0x1  }
.Ltmp8:
0xd5: {  	(pc) =	sbr.rel @p1 .LBB2_13-.Ltmp8, $3  }
0xd6: {  	_ =	sdelay $0x1  }
0xd7: {  	s6 =	sadd.s32 $0x80, s6;
	v3 =	vmul.f32 v3, v2  }
0xd8: {  	s9 =	sand.u32 $0x70, s8;
	s8 =	sadd.s32 $0x10, s8;
	s12 =	sand.u32 $0x3C00, s6  }
0xd9: {  	s6 =	sor.u32 s9, s12;
	[tilespmem:s3+$0x400] =	vst v3  }
0xda: {  	v3 =	vld [tilespmem:s6+$0x400];
	_ =	sdelay $0x4  }
0xdb: {  	s29 =	simm.s32 $0x0;
	v2 =	vmul.f32 v3, v2  }
0xdc: {  	s8 =	sand.u32 $0x70, s29;
	s3 =	sand.u32 $0x3C00, s29  }
0xdd: {  	s3 =	sor.u32 s8, s3;
	[tilespmem:s6+$0x400] =	vst v2  }
0xde: {  	v3 =	vld [tilespmem:s3+$0x480];
	_ =	sdelay $0x1  }
0xdf: {  	s5 =	scvt.s32.f32 s5;
	_ =	sdelay $0x1  }
0xe0: {  	s30 =	simm.s32 $0x10;
	v2 =	vmov s5  }
0xe1: {  	s19 =	smov.u32 s23;
	s16 =	smov.u32 s18;
	s5 =	simm.s32 $0x80;
	v3 =	vmul.f32 v3, v2  }
0xe2: {  	s8 =	sand.u32 $0x70, s30;
	s6 =	simm.s32 $0x20;
	s9 =	sand.u32 $0x3C00, s5  }
.LBB2_15:
0xe3: {  	p1 =	sne.s32 s6, $0x7F0;
	[tilespmem:s3+$0x480] =	vst v3;
	s3 =	sor.u32 s8, s9  }
0xe4: {  	v3 =	vld [tilespmem:s3+$0x480];
	_ =	sdelay $0x1  }
.Ltmp9:
0xe5: {  	(pc) =	sbr.rel @p1 .LBB2_15-.Ltmp9, $3  }
0xe6: {  	_ =	sdelay $0x1  }
0xe7: {  	s5 =	sadd.s32 $0x80, s5;
	v3 =	vmul.f32 v3, v2  }
0xe8: {  	s8 =	sand.u32 $0x70, s6;
	s6 =	sadd.s32 $0x10, s6;
	s9 =	sand.u32 $0x3C00, s5  }
0xe9: {  	s5 =	sor.u32 s8, s9;
	[tilespmem:s3+$0x480] =	vst v3  }
0xea: {  	v3 =	vld [tilespmem:s5+$0x480];
	_ =	sdelay $0x2  }
0xeb: {  	s3 =	simm.s32 $0x0  }
0xec: {  	s6 =	sand.u32 $0x7, s3  }
0xed: {  	s6 =	sshll.u32 s6, $0x4;
	v2 =	vmul.f32 v3, v2  }
0xee: {  	s6 =	sadd.s32 $0x0, s6  }
0xef: {  	[tilespmem:s5+$0x480] =	vst v2;
	s5 =	sor.u32 $0x380, s6  }
0xf0: {  	v3 =	vld [tilespmem:s5+$0x180];
	_ =	sdelay $0x1  }
0xf1: {  	s30 =	scvt.s32.f32 s13  }
0xf2: {  	s18 =	rddreg [dreg:$0x5];
	s6 =	simm.s32 $0x1  }
0xf3: {  	s8 =	simm.s32 $0x20;
	s23 =	rddreg [dreg:$0x6];
	v2 =	vmov s30;
	s9 =	sand.u32 $0x7, s6  }
.LBB2_17:
0xf4: {  	p1 =	sne.s32 s8, $0x7F0;
	s9 =	sshll.u32 s9, $0x4;
	v3 =	vmul.f32 v3, v2;
	s3 =	sadd.s32 $0x80, s3  }
0xf5: {  	s9 =	sadd.s32 s9, s3  }
0xf6: {  	[tilespmem:s5+$0x180] =	vst v3;
	s5 =	sor.u32 $0x380, s9  }
.Ltmp10:
0xf7: {  	v3 =	vld [tilespmem:s5+$0x180];
	(pc) =	sbr.rel @p1 .LBB2_17-.Ltmp10, $3  }
0xf8: {  	_ =	sdelay $0x1  }
0xf9: {  	s6 =	sadd.s32 $0x1, s6  }
0xfa: {  	s8 =	sadd.s32 $0x10, s8;
	s9 =	sand.u32 $0x7, s6  }
0xfb: {  	s6 =	sshll.u32 s9, $0x4;
	v3 =	vmul.f32 v3, v2;
	s3 =	sadd.s32 $0x80, s3  }
0xfc: {  	s3 =	sadd.s32 s6, s3  }
0xfd: {  	s3 =	sor.u32 $0x380, s3;
	[tilespmem:s5+$0x180] =	vst v3  }
0xfe: {  	v3 =	vld [tilespmem:s3+$0x180];
	_ =	sdelay $0x4  }
0xff: {  	v2 =	vmul.f32 v3, v2;
	_ =	sdelay $0x1  }
0x100: {  	s29 =	simm.s32 $0x180;
	[tilespmem:s3+$0x180] =	vst v2  }
.LBB2_19:
.Ltmp11:
0x101: {  	s3 =	sadd.s32 s16, s18;
	s30 =	simm.s32 $0x4;
	(pc) =	sbr.rel @p0 .LBB2_37-.Ltmp11, $4  }
0x102: {  	[hbm4b:s3+s2] =	stream.linear.scatter [tilespmem:s29], [sflag:$0x6], $0x4000, $0x38;
	[tilespmem:$0x8180] =	vst v63  }
0x103: {  	_ =	swait.ge [sflag:s30], $0x4000  }
0x104: {  	[sflag:s30] =	ssyncset.done $0x0  }
0x105: {  	s9 =	simm.s32 $0x180;
	[sflag:s30] =	ssyncadd.s32 $0xFFFFC000  }
0x106: {  	s3 =	simm.s32 $0x0  }
0x107: {  	s5 =	sand.u32 $0x70, s3;
	s3 =	sand.u32 $0x3C00, s3  }
0x108: {  	s3 =	sor.u32 s5, s3  }
0x109: {  	v3 =	vld [tilespmem:s3+$0x4180];
	_ =	sdelay $0x1  }
0x10a: {  	s4 =	scvt.s32.f32 s4;
	_ =	sdelay $0x1  }
0x10b: {  	v2 =	vmov s4  }
0x10c: {  	s30 =	simm.s32 $0x10;
	s4 =	simm.s32 $0x80;
	v3 =	vmul.f32 v3, v2  }
0x10d: {  	s6 =	sand.u32 $0x70, s30;
	s5 =	simm.s32 $0x20;
	s8 =	sand.u32 $0x3C00, s4  }
.LBB2_21:
0x10e: {  	p0 =	sne.s32 s5, $0x7F0;
	[tilespmem:s3+$0x4180] =	vst v3;
	s3 =	sor.u32 s6, s8  }
0x10f: {  	v3 =	vld [tilespmem:s3+$0x4180];
	_ =	sdelay $0x1  }
.Ltmp12:
0x110: {  	(pc) =	sbr.rel @p0 .LBB2_21-.Ltmp12, $3  }
0x111: {  	_ =	sdelay $0x1  }
0x112: {  	s4 =	sadd.s32 $0x80, s4;
	v3 =	vmul.f32 v3, v2  }
0x113: {  	s6 =	sand.u32 $0x70, s5;
	s5 =	sadd.s32 $0x10, s5;
	s8 =	sand.u32 $0x3C00, s4  }
0x114: {  	s4 =	sor.u32 s6, s8;
	[tilespmem:s3+$0x4180] =	vst v3  }
0x115: {  	v3 =	vld [tilespmem:s4+$0x4180];
	_ =	sdelay $0x4  }
0x116: {  	s25 =	simm.s32 $0x0;
	v2 =	vmul.f32 v3, v2  }
0x117: {  	s5 =	sand.u32 $0x70, s25;
	s3 =	sand.u32 $0x3C00, s25  }
0x118: {  	s3 =	sor.u32 s5, s3;
	[tilespmem:s4+$0x4180] =	vst v2  }
0x119: {  	v3 =	vld [tilespmem:s3+$0x4200];
	_ =	sdelay $0x1  }
0x11a: {  	s29 =	scvt.s32.f32 s17;
	_ =	sdelay $0x1  }
0x11b: {  	v2 =	vmov s29  }
0x11c: {  	s30 =	simm.s32 $0x10;
	s4 =	simm.s32 $0x80;
	v3 =	vmul.f32 v3, v2  }
0x11d: {  	s6 =	sand.u32 $0x70, s30;
	s5 =	simm.s32 $0x20;
	s8 =	sand.u32 $0x3C00, s4  }
.LBB2_23:
0x11e: {  	p0 =	sne.s32 s5, $0x7F0;
	[tilespmem:s3+$0x4200] =	vst v3;
	s3 =	sor.u32 s6, s8  }
0x11f: {  	v3 =	vld [tilespmem:s3+$0x4200];
	_ =	sdelay $0x1  }
.Ltmp13:
0x120: {  	(pc) =	sbr.rel @p0 .LBB2_23-.Ltmp13, $3  }
0x121: {  	_ =	sdelay $0x1  }
0x122: {  	s4 =	sadd.s32 $0x80, s4;
	v3 =	vmul.f32 v3, v2  }
0x123: {  	s6 =	sand.u32 $0x70, s5;
	s5 =	sadd.s32 $0x10, s5;
	s8 =	sand.u32 $0x3C00, s4  }
0x124: {  	s4 =	sor.u32 s6, s8;
	[tilespmem:s3+$0x4200] =	vst v3  }
0x125: {  	v3 =	vld [tilespmem:s4+$0x4200];
	_ =	sdelay $0x4  }
0x126: {  	s25 =	simm.s32 $0x0;
	v2 =	vmul.f32 v3, v2  }
0x127: {  	s5 =	sand.u32 $0x70, s25;
	s3 =	sand.u32 $0x3C00, s25  }
0x128: {  	s3 =	sor.u32 s5, s3;
	[tilespmem:s4+$0x4200] =	vst v2  }
0x129: {  	v3 =	vld [tilespmem:s3+$0x4280];
	_ =	sdelay $0x1  }
0x12a: {  	s29 =	scvt.s32.f32 s15;
	_ =	sdelay $0x1  }
0x12b: {  	v2 =	vmov s29  }
0x12c: {  	s30 =	simm.s32 $0x10;
	s4 =	simm.s32 $0x80;
	v3 =	vmul.f32 v3, v2  }
0x12d: {  	s6 =	sand.u32 $0x70, s30;
	s5 =	simm.s32 $0x20;
	s8 =	sand.u32 $0x3C00, s4  }
.LBB2_25:
0x12e: {  	p0 =	sne.s32 s5, $0x7F0;
	[tilespmem:s3+$0x4280] =	vst v3;
	s3 =	sor.u32 s6, s8  }
0x12f: {  	v3 =	vld [tilespmem:s3+$0x4280];
	_ =	sdelay $0x1  }
.Ltmp14:
0x130: {  	(pc) =	sbr.rel @p0 .LBB2_25-.Ltmp14, $3  }
0x131: {  	_ =	sdelay $0x1  }
0x132: {  	s4 =	sadd.s32 $0x80, s4;
	v3 =	vmul.f32 v3, v2  }
0x133: {  	s6 =	sand.u32 $0x70, s5;
	s5 =	sadd.s32 $0x10, s5;
	s8 =	sand.u32 $0x3C00, s4  }
0x134: {  	s4 =	sor.u32 s6, s8;
	[tilespmem:s3+$0x4280] =	vst v3  }
0x135: {  	v3 =	vld [tilespmem:s4+$0x4280];
	_ =	sdelay $0x4  }
0x136: {  	s25 =	simm.s32 $0x0;
	v2 =	vmul.f32 v3, v2  }
0x137: {  	s5 =	sand.u32 $0x70, s25;
	s3 =	sand.u32 $0x3C00, s25  }
0x138: {  	s3 =	sor.u32 s5, s3;
	[tilespmem:s4+$0x4280] =	vst v2  }
0x139: {  	v3 =	vld [tilespmem:s3+$0x4300];
	_ =	sdelay $0x1  }
0x13a: {  	s29 =	scvt.s32.f32 s11;
	_ =	sdelay $0x1  }
0x13b: {  	v2 =	vmov s29  }
0x13c: {  	s30 =	simm.s32 $0x10;
	s4 =	simm.s32 $0x80;
	v3 =	vmul.f32 v3, v2  }
0x13d: {  	s6 =	sand.u32 $0x70, s30;
	s5 =	simm.s32 $0x20;
	s8 =	sand.u32 $0x3C00, s4  }
.LBB2_27:
0x13e: {  	p0 =	sne.s32 s5, $0x7F0;
	[tilespmem:s3+$0x4300] =	vst v3;
	s3 =	sor.u32 s6, s8  }
0x13f: {  	v3 =	vld [tilespmem:s3+$0x4300];
	_ =	sdelay $0x1  }
.Ltmp15:
0x140: {  	(pc) =	sbr.rel @p0 .LBB2_27-.Ltmp15, $3  }
0x141: {  	_ =	sdelay $0x1  }
0x142: {  	s4 =	sadd.s32 $0x80, s4;
	v3 =	vmul.f32 v3, v2  }
0x143: {  	s6 =	sand.u32 $0x70, s5;
	s5 =	sadd.s32 $0x10, s5;
	s8 =	sand.u32 $0x3C00, s4  }
0x144: {  	s4 =	sor.u32 s6, s8;
	[tilespmem:s3+$0x4300] =	vst v3  }
0x145: {  	v3 =	vld [tilespmem:s4+$0x4300];
	_ =	sdelay $0x4  }
0x146: {  	s25 =	simm.s32 $0x0;
	v2 =	vmul.f32 v3, v2  }
0x147: {  	s5 =	sand.u32 $0x70, s25;
	s3 =	sand.u32 $0x3C00, s25  }
0x148: {  	s3 =	sor.u32 s5, s3;
	[tilespmem:s4+$0x4300] =	vst v2  }
0x149: {  	v3 =	vld [tilespmem:s3+$0x4380];
	_ =	sdelay $0x1  }
0x14a: {  	s29 =	scvt.s32.f32 s10;
	_ =	sdelay $0x1  }
0x14b: {  	v2 =	vmov s29  }
0x14c: {  	s30 =	simm.s32 $0x10;
	s4 =	simm.s32 $0x80;
	v3 =	vmul.f32 v3, v2  }
0x14d: {  	s6 =	sand.u32 $0x70, s30;
	s5 =	simm.s32 $0x20;
	s8 =	sand.u32 $0x3C00, s4  }
.LBB2_29:
0x14e: {  	p0 =	sne.s32 s5, $0x7F0;
	[tilespmem:s3+$0x4380] =	vst v3;
	s3 =	sor.u32 s6, s8  }
0x14f: {  	v3 =	vld [tilespmem:s3+$0x4380];
	_ =	sdelay $0x1  }
.Ltmp16:
0x150: {  	(pc) =	sbr.rel @p0 .LBB2_29-.Ltmp16, $3  }
0x151: {  	_ =	sdelay $0x1  }
0x152: {  	s4 =	sadd.s32 $0x80, s4;
	v3 =	vmul.f32 v3, v2  }
0x153: {  	s6 =	sand.u32 $0x70, s5;
	s5 =	sadd.s32 $0x10, s5;
	s8 =	sand.u32 $0x3C00, s4  }
0x154: {  	s4 =	sor.u32 s6, s8;
	[tilespmem:s3+$0x4380] =	vst v3  }
0x155: {  	v3 =	vld [tilespmem:s4+$0x4380];
	_ =	sdelay $0x4  }
0x156: {  	s29 =	simm.s32 $0x0;
	v2 =	vmul.f32 v3, v2  }
0x157: {  	s5 =	sand.u32 $0x70, s29;
	s3 =	sand.u32 $0x3C00, s29  }
0x158: {  	s3 =	sor.u32 s5, s3;
	[tilespmem:s4+$0x4380] =	vst v2  }
0x159: {  	v3 =	vld [tilespmem:s3+$0x4400];
	_ =	sdelay $0x1  }
0x15a: {  	s0 =	scvt.s32.f32 s0;
	_ =	sdelay $0x1  }
0x15b: {  	v2 =	vmov s0  }
0x15c: {  	s30 =	simm.s32 $0x10;
	s0 =	simm.s32 $0x80;
	v3 =	vmul.f32 v3, v2  }
0x15d: {  	s5 =	sand.u32 $0x70, s30;
	s4 =	simm.s32 $0x20;
	s6 =	sand.u32 $0x3C00, s0  }
.LBB2_31:
0x15e: {  	p0 =	sne.s32 s4, $0x7F0;
	[tilespmem:s3+$0x4400] =	vst v3;
	s3 =	sor.u32 s5, s6  }
0x15f: {  	v3 =	vld [tilespmem:s3+$0x4400];
	_ =	sdelay $0x1  }
.Ltmp17:
0x160: {  	(pc) =	sbr.rel @p0 .LBB2_31-.Ltmp17, $3  }
0x161: {  	_ =	sdelay $0x1  }
0x162: {  	s0 =	sadd.s32 $0x80, s0;
	v3 =	vmul.f32 v3, v2  }
0x163: {  	s5 =	sand.u32 $0x70, s4;
	s4 =	sadd.s32 $0x10, s4;
	s6 =	sand.u32 $0x3C00, s0  }
0x164: {  	s0 =	sor.u32 s5, s6;
	[tilespmem:s3+$0x4400] =	vst v3  }
0x165: {  	v3 =	vld [tilespmem:s0+$0x4400];
	_ =	sdelay $0x4  }
0x166: {  	s29 =	simm.s32 $0x0;
	v2 =	vmul.f32 v3, v2  }
0x167: {  	s4 =	sand.u32 $0x70, s29;
	s3 =	sand.u32 $0x3C00, s29  }
0x168: {  	[tilespmem:s0+$0x4400] =	vst v2;
	s0 =	sor.u32 s4, s3  }
0x169: {  	v3 =	vld [tilespmem:s0+$0x4480];
	_ =	sdelay $0x1  }
0x16a: {  	s1 =	scvt.s32.f32 s1;
	_ =	sdelay $0x1  }
0x16b: {  	v2 =	vmov s1  }
0x16c: {  	s30 =	simm.s32 $0x10;
	s1 =	simm.s32 $0x80;
	v3 =	vmul.f32 v3, v2  }
0x16d: {  	s4 =	sand.u32 $0x70, s30;
	s3 =	simm.s32 $0x20;
	s5 =	sand.u32 $0x3C00, s1  }
.LBB2_33:
0x16e: {  	p0 =	sne.s32 s3, $0x7F0;
	[tilespmem:s0+$0x4480] =	vst v3;
	s0 =	sor.u32 s4, s5  }
0x16f: {  	v3 =	vld [tilespmem:s0+$0x4480];
	_ =	sdelay $0x1  }
.Ltmp18:
0x170: {  	(pc) =	sbr.rel @p0 .LBB2_33-.Ltmp18, $3  }
0x171: {  	_ =	sdelay $0x1  }
0x172: {  	s1 =	sadd.s32 $0x80, s1;
	v3 =	vmul.f32 v3, v2  }
0x173: {  	s4 =	sand.u32 $0x70, s3;
	s3 =	sadd.s32 $0x10, s3;
	s5 =	sand.u32 $0x3C00, s1  }
0x174: {  	s1 =	sor.u32 s4, s5;
	[tilespmem:s0+$0x4480] =	vst v3  }
0x175: {  	v3 =	vld [tilespmem:s1+$0x4480];
	_ =	sdelay $0x2  }
0x176: {  	s0 =	simm.s32 $0x0  }
0x177: {  	s3 =	sand.u32 $0x7, s0  }
0x178: {  	s3 =	sshll.u32 s3, $0x4;
	v2 =	vmul.f32 v3, v2  }
0x179: {  	s3 =	sadd.s32 $0x0, s3  }
0x17a: {  	[tilespmem:s1+$0x4480] =	vst v2;
	s1 =	sor.u32 $0x380, s3  }
0x17b: {  	v3 =	vld [tilespmem:s1+$0x4180];
	_ =	sdelay $0x1  }
0x17c: {  	s31 =	scvt.s32.f32 s31  }
0x17d: {  	s3 =	simm.s32 $0x1  }
0x17e: {  	s4 =	simm.s32 $0x20;
	v2 =	vmov s31;
	s5 =	sand.u32 $0x7, s3  }
.LBB2_35:
0x17f: {  	p0 =	sne.s32 s4, $0x7F0;
	s5 =	sshll.u32 s5, $0x4;
	v3 =	vmul.f32 v3, v2;
	s0 =	sadd.s32 $0x80, s0  }
0x180: {  	s5 =	sadd.s32 s5, s0  }
0x181: {  	[tilespmem:s1+$0x4180] =	vst v3;
	s1 =	sor.u32 $0x380, s5  }
.Ltmp19:
0x182: {  	v3 =	vld [tilespmem:s1+$0x4180];
	(pc) =	sbr.rel @p0 .LBB2_35-.Ltmp19, $3  }
0x183: {  	_ =	sdelay $0x1  }
0x184: {  	s3 =	sadd.s32 $0x1, s3  }
0x185: {  	s4 =	sadd.s32 $0x10, s4;
	s5 =	sand.u32 $0x7, s3  }
0x186: {  	s3 =	sshll.u32 s5, $0x4;
	v3 =	vmul.f32 v3, v2;
	s0 =	sadd.s32 $0x80, s0  }
0x187: {  	s0 =	sadd.s32 s3, s0  }
0x188: {  	s0 =	sor.u32 $0x380, s0;
	[tilespmem:s1+$0x4180] =	vst v3  }
0x189: {  	v3 =	vld [tilespmem:s0+$0x4180];
	_ =	sdelay $0x2  }
.Ltmp20:
0x18a: {  	_ = 	snop;
	(pc) =	sbr.rel .LBB2_37-.Ltmp20, $3  }
0x18b: {  	_ = 	snop  }
0x18c: {  	v2 =	vmul.f32 v3, v2;
	_ =	sdelay $0x1  }
0x18d: {  	[tilespmem:s0+$0x4180] =	vst v2  }
.LBB2_38:
0x18e: {  	_ =	sfence.sel $0x180000  }
0x18f: {  	[bflag:$0x0] =	sbarrier.arrive $0xFFFF  }
0x190: {  	_ =	strace $0x90000047  }
0x191: {  	s0 =	stileid.u32;
	[bflag:$0x2] =	sbarrier.arrive $0xFFFF  }
0x192: {  	p0 =	sne.s32 s0, $0x0;
	s0 =	rddreg [dreg:$0x4]  }
0x193: {  	s0 =	sadd.s32 @!p0 $0x100000, s0  }
0x194: {  	[sflag:s0] =	ssyncadd.tile.s32 @!p0 $0x1;
	_ =	shalt  }
.Lfunc_end2:
_tile_overlayer_lowered:
.L_overlay_start_2:
0x195: {  	(tag) =	ssettag $0x2  }
0x196: {  	s0 =	rddreg [dreg:$0x0];
	s2 =	stileid.u32  }
0x197: {  	s1 =	rddreg [dreg:$0x1];
	p0 =	sne.s32 s2, $0x0  }
0x198: {  	s3 =	rddreg [dreg:$0x2];
	[bflag:$0x3] =	sbarrier.arrive $0xFFFF;
	s2 =	simm.s32 @!p0 $0x1C07  }
0x199: {  	[timem:s3], [sflag:s2] =	dma.local @!p0 [hbm:s0], s1  }
0x19a: {  	s0 =	simm.s32 @!p0 $0x7  }
0x19b: {  	_ =	swait.ge @!p0 [sflag:s0], s1  }
0x19c: {  	s1 =	ssub.s32 @!p0 $0x0, s1;
	[sflag:s0] =	ssyncset.done @!p0 $0x0  }
0x19d: {  	[sflag:s0] =	ssyncadd.s32 @!p0 s1  }
0x19e: {  	[bflag:$0x3] =	sbarrier.arrive $0xFFFF  }
0x19f: {  	_ =	shalt  }

</sc_bundles>
